<compile_context>
chip_gen: v7x
topology: tpu7x:2x2x1
jax: 0.10.2.dev20260603
libtpu: 0.0.44.dev20260713+nightly
codegen_flags: <defaults>
</compile_context>

<pallas_src>
import jax
import jax.numpy as jnp
from jax import lax
from jax.experimental import pallas as pl
from jax.experimental.pallas import tpu as pltpu
from jax.experimental.pallas import tpu_sc as plsc

B, F, V, D = 4096, 26, 100000, 16
H1, H2 = 512, 256

NC, NS = 2, 16
NW = NC * NS
K = F * D
CPW = K // NW

BLK = 1024


S0 = 49920
S1 = V - S0


def _sc_body(emb_hbm, bias_hbm, idx_hbm, xt_hbm, bt_hbm,
             buf_a, buf_b, idx_v, out_v, sem_a, sem_b):
    wid = lax.axis_index("s") * NC + lax.axis_index("c")
    k0 = wid * CPW
    kend = k0 + CPW

    def fire_a(k):
        pltpu.make_async_copy(emb_hbm.at[k].at[pl.ds(0, S0)], buf_a, sem_a).start()

    def fire_b(k):
        pltpu.make_async_copy(emb_hbm.at[k].at[pl.ds(S0, S1)], buf_b, sem_b).start()

    def wait_a(k):
        pltpu.make_async_copy(emb_hbm.at[k].at[pl.ds(0, S0)], buf_a, sem_a).wait()

    def wait_b(k):
        pltpu.make_async_copy(emb_hbm.at[k].at[pl.ds(S0, S1)], buf_b, sem_b).wait()

    def pass_a(n, _):
        ivec = idx_v[pl.ds(n * 16, 16)]
        m = ivec < S0
        out_v[pl.ds(n * 16, 16)] = plsc.load_gather(buf_a, [ivec], mask=m)
        return _

    def pass_b(n, _):
        ivec = idx_v[pl.ds(n * 16, 16)]
        m = ivec >= S0
        v1 = plsc.load_gather(buf_b, [ivec - S0], mask=m)
        prev = out_v[pl.ds(n * 16, 16)]
        out_v[pl.ds(n * 16, 16)] = jnp.where(m, v1, prev)
        return _

    pltpu.sync_copy(idx_hbm.at[k0 // D], idx_v)
    fire_a(k0)
    fire_b(k0)

    def do_col(k, carry):
        wait_a(k)
        lax.fori_loop(0, B // 16, pass_a, 0, unroll=8)

        @pl.when(k + 1 < kend)
        def _():
            fire_a(k + 1)

        @pl.when(jnp.logical_and(k + 1 == kend, wid < F))
        def _():
            pltpu.make_async_copy(bias_hbm.at[wid].at[pl.ds(0, S0)], buf_a, sem_a).start()

        wait_b(k)
        lax.fori_loop(0, B // 16, pass_b, 0, unroll=8)

        @pl.when(k + 1 < kend)
        def _():
            fire_b(k + 1)

        @pl.when(jnp.logical_and(k + 1 == kend, wid < F))
        def _():
            pltpu.make_async_copy(bias_hbm.at[wid].at[pl.ds(S0, S1)], buf_b, sem_b).start()

        pltpu.sync_copy(out_v, xt_hbm.at[k])

        @pl.when(jnp.logical_and(k + 1 < kend, lax.rem(k + 1, D) == 0))
        def _():
            pltpu.sync_copy(idx_hbm.at[(k + 1) // D], idx_v)

        return carry

    lax.fori_loop(k0, kend, do_col, 0)

    @pl.when(wid < F)
    def _():
        pltpu.sync_copy(idx_hbm.at[wid], idx_v)
        pltpu.make_async_copy(bias_hbm.at[wid].at[pl.ds(0, S0)], buf_a, sem_a).wait()
        lax.fori_loop(0, B // 16, pass_a, 0, unroll=8)
        pltpu.make_async_copy(bias_hbm.at[wid].at[pl.ds(S0, S1)], buf_b, sem_b).wait()
        lax.fori_loop(0, B // 16, pass_b, 0, unroll=8)
        pltpu.sync_copy(out_v, bt_hbm.at[wid])


def _sc_gather(embT, biasT, idxT):
    mesh = plsc.VectorSubcoreMesh(core_axis_name="c", subcore_axis_name="s")
    return pl.kernel(
        _sc_body,
        out_type=(
            jax.ShapeDtypeStruct((K, B), jnp.float32),
            jax.ShapeDtypeStruct((F, B), jnp.float32),
        ),
        mesh=mesh,
        compiler_params=pltpu.CompilerParams(needs_layout_passes=False),
        scratch_types=[
            pltpu.VMEM((S0,), jnp.float32),
            pltpu.VMEM((S1,), jnp.float32),
            pltpu.VMEM((B,), jnp.int32),
            pltpu.VMEM((B,), jnp.float32),
            pltpu.SemaphoreType.DMA,
            pltpu.SemaphoreType.DMA,
        ],
    )(embT, biasT, idxT)


def _mlp_body(xt_ref, bt_ref, w1_ref, b1_ref, w2_ref, b2_ref, w3_ref, b3_ref,
              out_ref):
    xt = xt_ref[...]
    h = jnp.maximum(
        lax.dot_general(xt, w1_ref[...], (((0,), (0,)), ((), ())),
                        preferred_element_type=jnp.float32)
        + b1_ref[...], 0.0)
    h = jnp.maximum(
        jnp.dot(h, w2_ref[...], preferred_element_type=jnp.float32)
        + b2_ref[...], 0.0)
    o = lax.dot_general(w3_ref[...], h, (((0,), (1,)), ((), ())),
                        preferred_element_type=jnp.float32)
    bsum = jnp.sum(bt_ref[...], axis=0, keepdims=True)
    out_ref[...] = jax.nn.sigmoid(o + bsum + b3_ref[...])


def _mlp(xt, bt, w1, b1, w2, b2, w3, b3):
    return pl.pallas_call(
        _mlp_body,
        grid=(B // BLK,),
        in_specs=[
            pl.BlockSpec((K, BLK), lambda i: (0, i)),
            pl.BlockSpec((F, BLK), lambda i: (0, i)),
            pl.BlockSpec((K, H1), lambda i: (0, 0)),
            pl.BlockSpec((1, H1), lambda i: (0, 0)),
            pl.BlockSpec((H1, H2), lambda i: (0, 0)),
            pl.BlockSpec((1, H2), lambda i: (0, 0)),
            pl.BlockSpec((H2, 1), lambda i: (0, 0)),
            pl.BlockSpec((1, 1), lambda i: (0, 0)),
        ],
        out_specs=pl.BlockSpec((1, BLK), lambda i: (0, i)),
        out_shape=jax.ShapeDtypeStruct((1, B), jnp.float32),
    )(xt, bt, w1, b1, w2, b2, w3, b3)


def kernel(inputs, emb_tables, bias_tables, W1, b1, W2, b2, W3, b3):
    embT = jnp.transpose(emb_tables, (0, 2, 1)).reshape(K, V)
    biasT = jnp.transpose(bias_tables, (0, 2, 1)).reshape(F, V)
    idxT = inputs.astype(jnp.int32).T

    xt, bt = _sc_gather(embT, biasT, idxT)
    out = _mlp(xt, bt, W1, b1.reshape(1, H1), W2, b2.reshape(1, H2),
               W3, b3.reshape(1, 1))
    return out.reshape(B)

# --- scband reference (transcript-rebuilt; emitter-appended) ---
"""Pipeline reference for scband-dnnretrain-57578331571005 (READ-ONLY COPY).

The authoritative reference and input builder live on the scoring server;
editing this copy changes nothing except your own understanding.
"""

import jax, jax.numpy as jnp
import numpy as np

B, F, V, D = 4096, 26, 100000, 16
MLP = [512, 256, 1]

def setup_inputs(seed: int = 0) -> dict:
    key = jax.random.key(seed)
    ks = jax.random.split(key, 12)
    inputs = jax.random.randint(ks[0], (B, F), 0, V, dtype=jnp.int64 if jax.config.jax_enable_x64 else jnp.int32)
    emb_tables = jax.random.normal(ks[1], (F, V, D), dtype=jnp.float32) * 0.01
    bias_tables = jax.random.normal(ks[2], (F, V, 1), dtype=jnp.float32) * 0.01
    d_in = F * D
    W1 = jax.random.normal(ks[3], (d_in, MLP[0]), dtype=jnp.float32) * float(np.sqrt(2.0 / (d_in + MLP[0])))
    b1 = jnp.zeros((MLP[0],), dtype=jnp.float32)
    W2 = jax.random.normal(ks[4], (MLP[0], MLP[1]), dtype=jnp.float32) * float(np.sqrt(2.0 / (MLP[0] + MLP[1])))
    b2 = jnp.zeros((MLP[1],), dtype=jnp.float32)
    W3 = jax.random.normal(ks[5], (MLP[1], MLP[2]), dtype=jnp.float32) * float(np.sqrt(2.0 / (MLP[1] + MLP[2])))
    b3 = jnp.zeros((MLP[2],), dtype=jnp.float32)
    return {"inputs": inputs, "emb_tables": emb_tables, "bias_tables": bias_tables,
            "W1": W1, "b1": b1, "W2": W2, "b2": b2, "W3": W3, "b3": b3}

def reference(inputs, emb_tables, bias_tables, W1, b1, W2, b2, W3, b3):
    nf = emb_tables.shape[0]
    field_idx = jnp.arange(nf)[None, :]
    # per-field embedding lookup (emb_lookup_multi_emb_size)
    embs = emb_tables[field_idx, inputs]            # [B, F, D]
    raw_embedding = embs.reshape(embs.shape[0], -1)  # [B, F*D]
    biases = bias_tables[field_idx, inputs]          # [B, F, 1]
    bias_sum = jnp.sum(biases, axis=1)               # [B, 1] (tf.add_n over fields)
    # normal_mlp with relu, relu, none
    h = jnp.maximum(raw_embedding @ W1 + b1, 0.0)
    h = jnp.maximum(h @ W2 + b2, 0.0)
    out = h @ W3 + b3                                # [B, 1]
    logits = jnp.sum(out, axis=1) + jnp.sum(bias_sum, axis=1)  # [B]
    outputs = jax.nn.sigmoid(logits)
    return outputs

if __name__ == "__main__":
    import jax
    _d = setup_inputs()
    print(jax.jit(kernel)(*tuple(_d.values())))

</pallas_src>

<mosaic_0001>
#map = affine_map<(d0, d1) -> (0, 0)>
module attributes {stable_mosaic.version = 14 : i64} {
  func.func @_sc_body(%arg0: i32, %arg1: i32, %arg2: memref<416x100000xf32, #tpu.memory_space<hbm>>, %arg3: memref<26x100000xf32, #tpu.memory_space<hbm>>, %arg4: memref<26x4096xi32, #tpu.memory_space<hbm>>, %arg5: memref<416x4096xf32, #tpu.memory_space<hbm>>, %arg6: memref<26x4096xf32, #tpu.memory_space<hbm>>, %arg7: memref<49920xf32, #tpu.memory_space<vmem>>, %arg8: memref<50080xf32, #tpu.memory_space<vmem>>, %arg9: memref<4096xi32, #tpu.memory_space<vmem>>, %arg10: memref<4096xf32, #tpu.memory_space<vmem>>, %arg11: memref<!tpu.dma_semaphore, #tpu.memory_space<semaphore_mem>>, %arg12: memref<!tpu.dma_semaphore, #tpu.memory_space<semaphore_mem>>) attributes {dimension_semantics = [#tpu.dimension_semantics<core_parallel>, #tpu.dimension_semantics<subcore_parallel>], iteration_bounds = array<i64: 2, 16>, scalar_prefetch = 0 : i64, scratch_operands = 6 : i64, tpu.core_type = #tpu.core_type<sc_vector_subcore>, window_params = [{transform_indices = #map}, {transform_indices = #map}, {transform_indices = #map}, {transform_indices = #map}, {transform_indices = #map}]} {
    %mul3A = arith.constant 2 : i32
    %mul3A_0 = arith.muli %arg1, %mul3A : i32
    %add3A = arith.addi %mul3A_0, %arg0 : i32
    %mul3A_1 = arith.constant 13 : i32
    %mul3A_2 = arith.muli %add3A, %mul3A_1 : i32
    %add3A_3 = arith.constant 13 : i32
    %add3A_4 = arith.addi %mul3A_2, %add3A_3 : i32
    %jit3A = arith.constant 16 : i32
    %div3A = arith.divsi %mul3A_2, %jit3A : i32
    %sign3A = arith.constant 0 : i32
    %sign3A_5 = arith.cmpi sgt, %mul3A_2, %sign3A : i32
    %sign3A_6 = arith.extui %sign3A_5 : i1 to i32
    %sign3A_7 = arith.constant 0 : i32
    %sign3A_8 = arith.cmpi slt, %mul3A_2, %sign3A_7 : i32
    %sign3A_9 = arith.extui %sign3A_8 : i1 to i32
    %sign3A_10 = arith.subi %sign3A_6, %sign3A_9 : i32
    %sign3A_11 = arith.constant 0 : i32
    %sign3A_12 = arith.cmpi sgt, %jit3A, %sign3A_11 : i32
    %sign3A_13 = arith.extui %sign3A_12 : i1 to i32
    %sign3A_14 = arith.constant 0 : i32
    %sign3A_15 = arith.cmpi slt, %jit3A, %sign3A_14 : i32
    %sign3A_16 = arith.extui %sign3A_15 : i1 to i32
    %sign3A_17 = arith.subi %sign3A_13, %sign3A_16 : i32
    %ne3A = arith.cmpi ne, %sign3A_10, %sign3A_17 : i32
    %rem3A = arith.remsi %mul3A_2, %jit3A : i32
    %ne3A_18 = arith.constant 0 : i32
    %ne3A_19 = arith.cmpi ne, %rem3A, %ne3A_18 : i32
    %and3A = arith.andi %ne3A, %ne3A_19 : i1
    %sub3A = arith.constant 1 : i32
    %sub3A_20 = arith.subi %div3A, %sub3A : i32
    %select_n3A = arith.select %and3A, %sub3A_20, %div3A : i32
    "tpu.region"() ({
      %run_scoped3A = tpu.sem_alloc : memref<!tpu.dma_semaphore, #tpu.memory_space<semaphore_mem>>
      %dma_start3A_50 = arith.constant 0 : i32
      %dma_start3A_51 = tpu.memref_slice %arg4[%select_n3A, %dma_start3A_50] : memref<26x4096xi32, #tpu.memory_space<hbm>> -> memref<1x4096xi32, #tpu.memory_space<hbm>>
      %dma_start3A_52 = tpu.memref_squeeze %dma_start3A_51 : memref<1x4096xi32, #tpu.memory_space<hbm>> -> memref<4096xi32, #tpu.memory_space<hbm>>
      %dma_start3A_53 = arith.constant 0 : i32
      %dma_start3A_54 = tpu.memref_slice %arg4[%select_n3A, %dma_start3A_53] : memref<26x4096xi32, #tpu.memory_space<hbm>> -> memref<1x4096xi32, #tpu.memory_space<hbm>>
      %dma_start3A_55 = tpu.memref_squeeze %dma_start3A_54 : memref<1x4096xi32, #tpu.memory_space<hbm>> -> memref<4096xi32, #tpu.memory_space<hbm>>
      tpu.enqueue_dma source(%dma_start3A_55 : memref<4096xi32, #tpu.memory_space<hbm>>) target(%arg9 : memref<4096xi32, #tpu.memory_space<vmem>>) target_semaphore(%run_scoped3A : memref<!tpu.dma_semaphore, #tpu.memory_space<semaphore_mem>>)
      %dma_wait3A = arith.constant 0 : i32
      %dma_wait3A_56 = tpu.memref_slice %arg4[%select_n3A, %dma_wait3A] : memref<26x4096xi32, #tpu.memory_space<hbm>> -> memref<1x4096xi32, #tpu.memory_space<hbm>>
      %dma_wait3A_57 = tpu.memref_squeeze %dma_wait3A_56 : memref<1x4096xi32, #tpu.memory_space<hbm>> -> memref<4096xi32, #tpu.memory_space<hbm>>
      %dma_wait3A_58 = arith.constant 0 : i32
      %dma_wait3A_59 = tpu.memref_slice %arg4[%select_n3A, %dma_wait3A_58] : memref<26x4096xi32, #tpu.memory_space<hbm>> -> memref<1x4096xi32, #tpu.memory_space<hbm>>
      %dma_wait3A_60 = tpu.memref_squeeze %dma_wait3A_59 : memref<1x4096xi32, #tpu.memory_space<hbm>> -> memref<4096xi32, #tpu.memory_space<hbm>>
      tpu.wait_dma2 semaphore(%run_scoped3A : memref<!tpu.dma_semaphore, #tpu.memory_space<semaphore_mem>>) src(%dma_wait3A_60 : memref<4096xi32, #tpu.memory_space<hbm>>) dst(%arg9 : memref<4096xi32, #tpu.memory_space<vmem>>)
      tpu.yield
    }) : () -> ()
    %dma_start3A = arith.constant 0 : i32
    %dma_start3A_21 = tpu.memref_slice %arg2[%mul3A_2, %dma_start3A] : memref<416x100000xf32, #tpu.memory_space<hbm>> -> memref<1x100000xf32, #tpu.memory_space<hbm>>
    %dma_start3A_22 = tpu.memref_squeeze %dma_start3A_21 : memref<1x100000xf32, #tpu.memory_space<hbm>> -> memref<100000xf32, #tpu.memory_space<hbm>>
    %dma_start3A_23 = arith.constant 0 : i32
    %dma_start3A_24 = tpu.memref_slice %dma_start3A_22[%dma_start3A_23] : memref<100000xf32, #tpu.memory_space<hbm>> -> memref<49920xf32, #tpu.memory_space<hbm>>
    %dma_start3A_25 = arith.constant 0 : i32
    %dma_start3A_26 = tpu.memref_slice %arg2[%mul3A_2, %dma_start3A_25] : memref<416x100000xf32, #tpu.memory_space<hbm>> -> memref<1x100000xf32, #tpu.memory_space<hbm>>
    %dma_start3A_27 = tpu.memref_squeeze %dma_start3A_26 : memref<1x100000xf32, #tpu.memory_space<hbm>> -> memref<100000xf32, #tpu.memory_space<hbm>>
    %dma_start3A_28 = arith.constant 0 : i32
    %dma_start3A_29 = tpu.memref_slice %dma_start3A_27[%dma_start3A_28] : memref<100000xf32, #tpu.memory_space<hbm>> -> memref<49920xf32, #tpu.memory_space<hbm>>
    tpu.enqueue_dma source(%dma_start3A_29 : memref<49920xf32, #tpu.memory_space<hbm>>) target(%arg7 : memref<49920xf32, #tpu.memory_space<vmem>>) target_semaphore(%arg11 : memref<!tpu.dma_semaphore, #tpu.memory_space<semaphore_mem>>)
    %dma_start3A_30 = arith.constant 0 : i32
    %dma_start3A_31 = tpu.memref_slice %arg2[%mul3A_2, %dma_start3A_30] : memref<416x100000xf32, #tpu.memory_space<hbm>> -> memref<1x100000xf32, #tpu.memory_space<hbm>>
    %dma_start3A_32 = tpu.memref_squeeze %dma_start3A_31 : memref<1x100000xf32, #tpu.memory_space<hbm>> -> memref<100000xf32, #tpu.memory_space<hbm>>
    %dma_start3A_33 = arith.constant 49920 : i32
    %dma_start3A_34 = tpu.memref_slice %dma_start3A_32[%dma_start3A_33] : memref<100000xf32, #tpu.memory_space<hbm>> -> memref<50080xf32, #tpu.memory_space<hbm>>
    %dma_start3A_35 = arith.constant 0 : i32
    %dma_start3A_36 = tpu.memref_slice %arg2[%mul3A_2, %dma_start3A_35] : memref<416x100000xf32, #tpu.memory_space<hbm>> -> memref<1x100000xf32, #tpu.memory_space<hbm>>
    %dma_start3A_37 = tpu.memref_squeeze %dma_start3A_36 : memref<1x100000xf32, #tpu.memory_space<hbm>> -> memref<100000xf32, #tpu.memory_space<hbm>>
    %dma_start3A_38 = arith.constant 49920 : i32
    %dma_start3A_39 = tpu.memref_slice %dma_start3A_37[%dma_start3A_38] : memref<100000xf32, #tpu.memory_space<hbm>> -> memref<50080xf32, #tpu.memory_space<hbm>>
    tpu.enqueue_dma source(%dma_start3A_39 : memref<50080xf32, #tpu.memory_space<hbm>>) target(%arg8 : memref<50080xf32, #tpu.memory_space<vmem>>) target_semaphore(%arg12 : memref<!tpu.dma_semaphore, #tpu.memory_space<semaphore_mem>>)
    %while3A = arith.constant 0 : i32
    %while3A_40 = arith.subi %add3A_4, %mul3A_2 : i32
    %while3A_41 = arith.addi %mul3A_2, %while3A_40 : i32
    %while3A_42 = arith.constant 1 : i32
    %while3A_43 = arith.divsi %while3A_40, %while3A_42 : i32
    %while3A_44 = arith.muli %while3A_43, %while3A_42 : i32
    %while3A_45 = arith.addi %mul3A_2, %while3A_44 : i32
    %while3A_46 = arith.constant 1 : i32
    scf.for %while3A_50 = %mul3A_2 to %while3A_45 step %while3A_46  : i32 {
      %dma_wait3A = arith.constant 0 : i32
      %dma_wait3A_51 = tpu.memref_slice %arg2[%while3A_50, %dma_wait3A] : memref<416x100000xf32, #tpu.memory_space<hbm>> -> memref<1x100000xf32, #tpu.memory_space<hbm>>
      %dma_wait3A_52 = tpu.memref_squeeze %dma_wait3A_51 : memref<1x100000xf32, #tpu.memory_space<hbm>> -> memref<100000xf32, #tpu.memory_space<hbm>>
      %dma_wait3A_53 = arith.constant 0 : i32
      %dma_wait3A_54 = tpu.memref_slice %dma_wait3A_52[%dma_wait3A_53] : memref<100000xf32, #tpu.memory_space<hbm>> -> memref<49920xf32, #tpu.memory_space<hbm>>
      %dma_wait3A_55 = arith.constant 0 : i32
      %dma_wait3A_56 = tpu.memref_slice %arg2[%while3A_50, %dma_wait3A_55] : memref<416x100000xf32, #tpu.memory_space<hbm>> -> memref<1x100000xf32, #tpu.memory_space<hbm>>
      %dma_wait3A_57 = tpu.memref_squeeze %dma_wait3A_56 : memref<1x100000xf32, #tpu.memory_space<hbm>> -> memref<100000xf32, #tpu.memory_space<hbm>>
      %dma_wait3A_58 = arith.constant 0 : i32
      %dma_wait3A_59 = tpu.memref_slice %dma_wait3A_57[%dma_wait3A_58] : memref<100000xf32, #tpu.memory_space<hbm>> -> memref<49920xf32, #tpu.memory_space<hbm>>
      tpu.wait_dma2 semaphore(%arg11 : memref<!tpu.dma_semaphore, #tpu.memory_space<semaphore_mem>>) src(%dma_wait3A_59 : memref<49920xf32, #tpu.memory_space<hbm>>) dst(%arg7 : memref<49920xf32, #tpu.memory_space<vmem>>)
      %scan3A = arith.constant 0 : i32
      %scan3A_60 = arith.constant 0 : i32
      %scan3A_61 = arith.constant 256 : i32
      %scan3A_62 = arith.addi %scan3A_60, %scan3A_61 : i32
      %scan3A_63 = arith.constant 8 : i32
      scf.for %scan3A_123 = %scan3A_60 to %scan3A_62 step %scan3A_63  : i32 {
        %mul3A_124 = arith.constant 16 : i32
        %mul3A_125 = arith.muli %scan3A_123, %mul3A_124 : i32
        %get3A = arith.index_cast %mul3A_125 : i32 to index
        %get3A_126 = tpu.vector_load %arg9[%get3A] {strides = array<i32>} : memref<4096xi32, #tpu.memory_space<vmem>>, vector<16xi32>,
        %lt3A_127 = arith.constant 49920 : i32
        %lt3A_128 = vector.broadcast %lt3A_127 : i32 to vector<16xi32>
        %lt3A_129 = arith.cmpi slt, %get3A_126, %lt3A_128 : vector<16xi32>
        %gather3A = tpu.vector_load_idx %arg7[%get3A_126] masked %lt3A_129 : memref<49920xf32, #tpu.memory_space<vmem>>[vector<16xi32>], vector<16xf32>, vector<16xi1>
        %mul3A_130 = arith.constant 16 : i32
        %mul3A_131 = arith.muli %scan3A_123, %mul3A_130 : i32
        %swap3A = arith.index_cast %mul3A_131 : i32 to index
        %swap3A_132 = tpu.vector_load %arg10[%swap3A] {strides = array<i32>} : memref<4096xf32, #tpu.memory_space<vmem>>, vector<16xf32>,
        tpu.vector_store %arg10[%swap3A], %gather3A {strides = array<i32>} : memref<4096xf32, #tpu.memory_space<vmem>>, vector<16xf32>,
        %scan3A_133 = arith.constant 1 : i32
        %scan3A_134 = arith.addi %scan3A_123, %scan3A_133 : i32
        %mul3A_135 = arith.constant 16 : i32
        %mul3A_136 = arith.muli %scan3A_134, %mul3A_135 : i32
        %get3A_137 = arith.index_cast %mul3A_136 : i32 to index
        %get3A_138 = tpu.vector_load %arg9[%get3A_137] {strides = array<i32>} : memref<4096xi32, #tpu.memory_space<vmem>>, vector<16xi32>,
        %lt3A_139 = arith.constant 49920 : i32
        %lt3A_140 = vector.broadcast %lt3A_139 : i32 to vector<16xi32>
        %lt3A_141 = arith.cmpi slt, %get3A_138, %lt3A_140 : vector<16xi32>
        %gather3A_142 = tpu.vector_load_idx %arg7[%get3A_138] masked %lt3A_141 : memref<49920xf32, #tpu.memory_space<vmem>>[vector<16xi32>], vector<16xf32>, vector<16xi1>
        %mul3A_143 = arith.constant 16 : i32
        %mul3A_144 = arith.muli %scan3A_134, %mul3A_143 : i32
        %swap3A_145 = arith.index_cast %mul3A_144 : i32 to index
        %swap3A_146 = tpu.vector_load %arg10[%swap3A_145] {strides = array<i32>} : memref<4096xf32, #tpu.memory_space<vmem>>, vector<16xf32>,
        tpu.vector_store %arg10[%swap3A_145], %gather3A_142 {strides = array<i32>} : memref<4096xf32, #tpu.memory_space<vmem>>, vector<16xf32>,
        %scan3A_147 = arith.constant 2 : i32
        %scan3A_148 = arith.addi %scan3A_123, %scan3A_147 : i32
        %mul3A_149 = arith.constant 16 : i32
        %mul3A_150 = arith.muli %scan3A_148, %mul3A_149 : i32
        %get3A_151 = arith.index_cast %mul3A_150 : i32 to index
        %get3A_152 = tpu.vector_load %arg9[%get3A_151] {strides = array<i32>} : memref<4096xi32, #tpu.memory_space<vmem>>, vector<16xi32>,
        %lt3A_153 = arith.constant 49920 : i32
        %lt3A_154 = vector.broadcast %lt3A_153 : i32 to vector<16xi32>
        %lt3A_155 = arith.cmpi slt, %get3A_152, %lt3A_154 : vector<16xi32>
        %gather3A_156 = tpu.vector_load_idx %arg7[%get3A_152] masked %lt3A_155 : memref<49920xf32, #tpu.memory_space<vmem>>[vector<16xi32>], vector<16xf32>, vector<16xi1>
        %mul3A_157 = arith.constant 16 : i32
        %mul3A_158 = arith.muli %scan3A_148, %mul3A_157 : i32
        %swap3A_159 = arith.index_cast %mul3A_158 : i32 to index
        %swap3A_160 = tpu.vector_load %arg10[%swap3A_159] {strides = array<i32>} : memref<4096xf32, #tpu.memory_space<vmem>>, vector<16xf32>,
        tpu.vector_store %arg10[%swap3A_159], %gather3A_156 {strides = array<i32>} : memref<4096xf32, #tpu.memory_space<vmem>>, vector<16xf32>,
        %scan3A_161 = arith.constant 3 : i32
        %scan3A_162 = arith.addi %scan3A_123, %scan3A_161 : i32
        %mul3A_163 = arith.constant 16 : i32
        %mul3A_164 = arith.muli %scan3A_162, %mul3A_163 : i32
        %get3A_165 = arith.index_cast %mul3A_164 : i32 to index
        %get3A_166 = tpu.vector_load %arg9[%get3A_165] {strides = array<i32>} : memref<4096xi32, #tpu.memory_space<vmem>>, vector<16xi32>,
        %lt3A_167 = arith.constant 49920 : i32
        %lt3A_168 = vector.broadcast %lt3A_167 : i32 to vector<16xi32>
        %lt3A_169 = arith.cmpi slt, %get3A_166, %lt3A_168 : vector<16xi32>
        %gather3A_170 = tpu.vector_load_idx %arg7[%get3A_166] masked %lt3A_169 : memref<49920xf32, #tpu.memory_space<vmem>>[vector<16xi32>], vector<16xf32>, vector<16xi1>
        %mul3A_171 = arith.constant 16 : i32
        %mul3A_172 = arith.muli %scan3A_162, %mul3A_171 : i32
        %swap3A_173 = arith.index_cast %mul3A_172 : i32 to index
        %swap3A_174 = tpu.vector_load %arg10[%swap3A_173] {strides = array<i32>} : memref<4096xf32, #tpu.memory_space<vmem>>, vector<16xf32>,
        tpu.vector_store %arg10[%swap3A_173], %gather3A_170 {strides = array<i32>} : memref<4096xf32, #tpu.memory_space<vmem>>, vector<16xf32>,
        %scan3A_175 = arith.constant 4 : i32
        %scan3A_176 = arith.addi %scan3A_123, %scan3A_175 : i32
        %mul3A_177 = arith.constant 16 : i32
        %mul3A_178 = arith.muli %scan3A_176, %mul3A_177 : i32
        %get3A_179 = arith.index_cast %mul3A_178 : i32 to index
        %get3A_180 = tpu.vector_load %arg9[%get3A_179] {strides = array<i32>} : memref<4096xi32, #tpu.memory_space<vmem>>, vector<16xi32>,
        %lt3A_181 = arith.constant 49920 : i32
        %lt3A_182 = vector.broadcast %lt3A_181 : i32 to vector<16xi32>
        %lt3A_183 = arith.cmpi slt, %get3A_180, %lt3A_182 : vector<16xi32>
        %gather3A_184 = tpu.vector_load_idx %arg7[%get3A_180] masked %lt3A_183 : memref<49920xf32, #tpu.memory_space<vmem>>[vector<16xi32>], vector<16xf32>, vector<16xi1>
        %mul3A_185 = arith.constant 16 : i32
        %mul3A_186 = arith.muli %scan3A_176, %mul3A_185 : i32
        %swap3A_187 = arith.index_cast %mul3A_186 : i32 to index
        %swap3A_188 = tpu.vector_load %arg10[%swap3A_187] {strides = array<i32>} : memref<4096xf32, #tpu.memory_space<vmem>>, vector<16xf32>,
        tpu.vector_store %arg10[%swap3A_187], %gather3A_184 {strides = array<i32>} : memref<4096xf32, #tpu.memory_space<vmem>>, vector<16xf32>,
        %scan3A_189 = arith.constant 5 : i32
        %scan3A_190 = arith.addi %scan3A_123, %scan3A_189 : i32
        %mul3A_191 = arith.constant 16 : i32
        %mul3A_192 = arith.muli %scan3A_190, %mul3A_191 : i32
        %get3A_193 = arith.index_cast %mul3A_192 : i32 to index
        %get3A_194 = tpu.vector_load %arg9[%get3A_193] {strides = array<i32>} : memref<4096xi32, #tpu.memory_space<vmem>>, vector<16xi32>,
        %lt3A_195 = arith.constant 49920 : i32
        %lt3A_196 = vector.broadcast %lt3A_195 : i32 to vector<16xi32>
        %lt3A_197 = arith.cmpi slt, %get3A_194, %lt3A_196 : vector<16xi32>
        %gather3A_198 = tpu.vector_load_idx %arg7[%get3A_194] masked %lt3A_197 : memref<49920xf32, #tpu.memory_space<vmem>>[vector<16xi32>], vector<16xf32>, vector<16xi1>
        %mul3A_199 = arith.constant 16 : i32
        %mul3A_200 = arith.muli %scan3A_190, %mul3A_199 : i32
        %swap3A_201 = arith.index_cast %mul3A_200 : i32 to index
        %swap3A_202 = tpu.vector_load %arg10[%swap3A_201] {strides = array<i32>} : memref<4096xf32, #tpu.memory_space<vmem>>, vector<16xf32>,
        tpu.vector_store %arg10[%swap3A_201], %gather3A_198 {strides = array<i32>} : memref<4096xf32, #tpu.memory_space<vmem>>, vector<16xf32>,
        %scan3A_203 = arith.constant 6 : i32
        %scan3A_204 = arith.addi %scan3A_123, %scan3A_203 : i32
        %mul3A_205 = arith.constant 16 : i32
        %mul3A_206 = arith.muli %scan3A_204, %mul3A_205 : i32
        %get3A_207 = arith.index_cast %mul3A_206 : i32 to index
        %get3A_208 = tpu.vector_load %arg9[%get3A_207] {strides = array<i32>} : memref<4096xi32, #tpu.memory_space<vmem>>, vector<16xi32>,
        %lt3A_209 = arith.constant 49920 : i32
        %lt3A_210 = vector.broadcast %lt3A_209 : i32 to vector<16xi32>
        %lt3A_211 = arith.cmpi slt, %get3A_208, %lt3A_210 : vector<16xi32>
        %gather3A_212 = tpu.vector_load_idx %arg7[%get3A_208] masked %lt3A_211 : memref<49920xf32, #tpu.memory_space<vmem>>[vector<16xi32>], vector<16xf32>, vector<16xi1>
        %mul3A_213 = arith.constant 16 : i32
        %mul3A_214 = arith.muli %scan3A_204, %mul3A_213 : i32
        %swap3A_215 = arith.index_cast %mul3A_214 : i32 to index
        %swap3A_216 = tpu.vector_load %arg10[%swap3A_215] {strides = array<i32>} : memref<4096xf32, #tpu.memory_space<vmem>>, vector<16xf32>,
        tpu.vector_store %arg10[%swap3A_215], %gather3A_212 {strides = array<i32>} : memref<4096xf32, #tpu.memory_space<vmem>>, vector<16xf32>,
        %scan3A_217 = arith.constant 7 : i32
        %scan3A_218 = arith.addi %scan3A_123, %scan3A_217 : i32
        %mul3A_219 = arith.constant 16 : i32
        %mul3A_220 = arith.muli %scan3A_218, %mul3A_219 : i32
        %get3A_221 = arith.index_cast %mul3A_220 : i32 to index
        %get3A_222 = tpu.vector_load %arg9[%get3A_221] {strides = array<i32>} : memref<4096xi32, #tpu.memory_space<vmem>>, vector<16xi32>,
        %lt3A_223 = arith.constant 49920 : i32
        %lt3A_224 = vector.broadcast %lt3A_223 : i32 to vector<16xi32>
        %lt3A_225 = arith.cmpi slt, %get3A_222, %lt3A_224 : vector<16xi32>
        %gather3A_226 = tpu.vector_load_idx %arg7[%get3A_222] masked %lt3A_225 : memref<49920xf32, #tpu.memory_space<vmem>>[vector<16xi32>], vector<16xf32>, vector<16xi1>
        %mul3A_227 = arith.constant 16 : i32
        %mul3A_228 = arith.muli %scan3A_218, %mul3A_227 : i32
        %swap3A_229 = arith.index_cast %mul3A_228 : i32 to index
        %swap3A_230 = tpu.vector_load %arg10[%swap3A_229] {strides = array<i32>} : memref<4096xf32, #tpu.memory_space<vmem>>, vector<16xf32>,
        tpu.vector_store %arg10[%swap3A_229], %gather3A_226 {strides = array<i32>} : memref<4096xf32, #tpu.memory_space<vmem>>, vector<16xf32>,
      }
      %scan3A_64 = arith.constant 256 : i32
      %add3A_65 = arith.constant 1 : i32
      %add3A_66 = arith.addi %while3A_50, %add3A_65 : i32
      %lt3A_67 = arith.cmpi slt, %add3A_66, %add3A_4 : i32
      %convert_element_type3A_68 = arith.extui %lt3A_67 : i1 to i32
      %cond3A_69 = arith.constant 0 : i32
      %cond3A_70 = arith.cmpi ne, %convert_element_type3A_68, %cond3A_69 : i32
      scf.if %cond3A_70 {
        %add3A_123 = arith.constant 1 : i32
        %add3A_124 = arith.addi %while3A_50, %add3A_123 : i32
        %dma_start3A_125 = arith.constant 0 : i32
        %dma_start3A_126 = tpu.memref_slice %arg2[%add3A_124, %dma_start3A_125] : memref<416x100000xf32, #tpu.memory_space<hbm>> -> memref<1x100000xf32, #tpu.memory_space<hbm>>
        %dma_start3A_127 = tpu.memref_squeeze %dma_start3A_126 : memref<1x100000xf32, #tpu.memory_space<hbm>> -> memref<100000xf32, #tpu.memory_space<hbm>>
        %dma_start3A_128 = arith.constant 0 : i32
        %dma_start3A_129 = tpu.memref_slice %dma_start3A_127[%dma_start3A_128] : memref<100000xf32, #tpu.memory_space<hbm>> -> memref<49920xf32, #tpu.memory_space<hbm>>
        %dma_start3A_130 = arith.constant 0 : i32
        %dma_start3A_131 = tpu.memref_slice %arg2[%add3A_124, %dma_start3A_130] : memref<416x100000xf32, #tpu.memory_space<hbm>> -> memref<1x100000xf32, #tpu.memory_space<hbm>>
        %dma_start3A_132 = tpu.memref_squeeze %dma_start3A_131 : memref<1x100000xf32, #tpu.memory_space<hbm>> -> memref<100000xf32, #tpu.memory_space<hbm>>
        %dma_start3A_133 = arith.constant 0 : i32
        %dma_start3A_134 = tpu.memref_slice %dma_start3A_132[%dma_start3A_133] : memref<100000xf32, #tpu.memory_space<hbm>> -> memref<49920xf32, #tpu.memory_space<hbm>>
        tpu.enqueue_dma source(%dma_start3A_134 : memref<49920xf32, #tpu.memory_space<hbm>>) target(%arg7 : memref<49920xf32, #tpu.memory_space<vmem>>) target_semaphore(%arg11 : memref<!tpu.dma_semaphore, #tpu.memory_space<semaphore_mem>>)
      } else {
      }
      %add3A_71 = arith.constant 1 : i32
      %add3A_72 = arith.addi %while3A_50, %add3A_71 : i32
      %eq3A = arith.cmpi eq, %add3A_72, %add3A_4 : i32
      %lt3A_73 = arith.constant 26 : i32
      %lt3A_74 = arith.cmpi slt, %add3A, %lt3A_73 : i32
      %and3A_75 = arith.andi %eq3A, %lt3A_74 : i1
      %convert_element_type3A_76 = arith.extui %and3A_75 : i1 to i32
      %cond3A_77 = arith.constant 0 : i32
      %cond3A_78 = arith.cmpi ne, %convert_element_type3A_76, %cond3A_77 : i32
      scf.if %cond3A_78 {
        %dma_start3A_123 = arith.constant 0 : i32
        %dma_start3A_124 = tpu.memref_slice %arg3[%add3A, %dma_start3A_123] : memref<26x100000xf32, #tpu.memory_space<hbm>> -> memref<1x100000xf32, #tpu.memory_space<hbm>>
        %dma_start3A_125 = tpu.memref_squeeze %dma_start3A_124 : memref<1x100000xf32, #tpu.memory_space<hbm>> -> memref<100000xf32, #tpu.memory_space<hbm>>
        %dma_start3A_126 = arith.constant 0 : i32
        %dma_start3A_127 = tpu.memref_slice %dma_start3A_125[%dma_start3A_126] : memref<100000xf32, #tpu.memory_space<hbm>> -> memref<49920xf32, #tpu.memory_space<hbm>>
        %dma_start3A_128 = arith.constant 0 : i32
        %dma_start3A_129 = tpu.memref_slice %arg3[%add3A, %dma_start3A_128] : memref<26x100000xf32, #tpu.memory_space<hbm>> -> memref<1x100000xf32, #tpu.memory_space<hbm>>
        %dma_start3A_130 = tpu.memref_squeeze %dma_start3A_129 : memref<1x100000xf32, #tpu.memory_space<hbm>> -> memref<100000xf32, #tpu.memory_space<hbm>>
        %dma_start3A_131 = arith.constant 0 : i32
        %dma_start3A_132 = tpu.memref_slice %dma_start3A_130[%dma_start3A_131] : memref<100000xf32, #tpu.memory_space<hbm>> -> memref<49920xf32, #tpu.memory_space<hbm>>
        tpu.enqueue_dma source(%dma_start3A_132 : memref<49920xf32, #tpu.memory_space<hbm>>) target(%arg7 : memref<49920xf32, #tpu.memory_space<vmem>>) target_semaphore(%arg11 : memref<!tpu.dma_semaphore, #tpu.memory_space<semaphore_mem>>)
      } else {
      }
      %dma_wait3A_79 = arith.constant 0 : i32
      %dma_wait3A_80 = tpu.memref_slice %arg2[%while3A_50, %dma_wait3A_79] : memref<416x100000xf32, #tpu.memory_space<hbm>> -> memref<1x100000xf32, #tpu.memory_space<hbm>>
      %dma_wait3A_81 = tpu.memref_squeeze %dma_wait3A_80 : memref<1x100000xf32, #tpu.memory_space<hbm>> -> memref<100000xf32, #tpu.memory_space<hbm>>
      %dma_wait3A_82 = arith.constant 49920 : i32
      %dma_wait3A_83 = tpu.memref_slice %dma_wait3A_81[%dma_wait3A_82] : memref<100000xf32, #tpu.memory_space<hbm>> -> memref<50080xf32, #tpu.memory_space<hbm>>
      %dma_wait3A_84 = arith.constant 0 : i32
      %dma_wait3A_85 = tpu.memref_slice %arg2[%while3A_50, %dma_wait3A_84] : memref<416x100000xf32, #tpu.memory_space<hbm>> -> memref<1x100000xf32, #tpu.memory_space<hbm>>
      %dma_wait3A_86 = tpu.memref_squeeze %dma_wait3A_85 : memref<1x100000xf32, #tpu.memory_space<hbm>> -> memref<100000xf32, #tpu.memory_space<hbm>>
      %dma_wait3A_87 = arith.constant 49920 : i32
      %dma_wait3A_88 = tpu.memref_slice %dma_wait3A_86[%dma_wait3A_87] : memref<100000xf32, #tpu.memory_space<hbm>> -> memref<50080xf32, #tpu.memory_space<hbm>>
      tpu.wait_dma2 semaphore(%arg12 : memref<!tpu.dma_semaphore, #tpu.memory_space<semaphore_mem>>) src(%dma_wait3A_88 : memref<50080xf32, #tpu.memory_space<hbm>>) dst(%arg8 : memref<50080xf32, #tpu.memory_space<vmem>>)
      %scan3A_89 = arith.constant 0 : i32
      %scan3A_90 = arith.constant 0 : i32
      %scan3A_91 = arith.constant 256 : i32
      %scan3A_92 = arith.addi %scan3A_90, %scan3A_91 : i32
      %scan3A_93 = arith.constant 8 : i32
      scf.for %scan3A_123 = %scan3A_90 to %scan3A_92 step %scan3A_93  : i32 {
        %mul3A_124 = arith.constant 16 : i32
        %mul3A_125 = arith.muli %scan3A_123, %mul3A_124 : i32
        %get3A = arith.index_cast %mul3A_125 : i32 to index
        %get3A_126 = tpu.vector_load %arg9[%get3A] {strides = array<i32>} : memref<4096xi32, #tpu.memory_space<vmem>>, vector<16xi32>,
        %ge3A = arith.constant 49920 : i32
        %ge3A_127 = vector.broadcast %ge3A : i32 to vector<16xi32>
        %ge3A_128 = arith.cmpi sge, %get3A_126, %ge3A_127 : vector<16xi32>
        %sub3A_129 = arith.constant 49920 : i32
        %sub3A_130 = vector.broadcast %sub3A_129 : i32 to vector<16xi32>
        %sub3A_131 = arith.subi %get3A_126, %sub3A_130 : vector<16xi32>
        %gather3A = tpu.vector_load_idx %arg8[%sub3A_131] masked %ge3A_128 : memref<50080xf32, #tpu.memory_space<vmem>>[vector<16xi32>], vector<16xf32>, vector<16xi1>
        %mul3A_132 = arith.constant 16 : i32
        %mul3A_133 = arith.muli %scan3A_123, %mul3A_132 : i32
        %get3A_134 = arith.index_cast %mul3A_133 : i32 to index
        %get3A_135 = tpu.vector_load %arg10[%get3A_134] {strides = array<i32>} : memref<4096xf32, #tpu.memory_space<vmem>>, vector<16xf32>,
        %select_n3A_136 = arith.select %ge3A_128, %gather3A, %get3A_135 : vector<16xi1>, vector<16xf32>
        %mul3A_137 = arith.constant 16 : i32
        %mul3A_138 = arith.muli %scan3A_123, %mul3A_137 : i32
        %swap3A = arith.index_cast %mul3A_138 : i32 to index
        %swap3A_139 = tpu.vector_load %arg10[%swap3A] {strides = array<i32>} : memref<4096xf32, #tpu.memory_space<vmem>>, vector<16xf32>,
        tpu.vector_store %arg10[%swap3A], %select_n3A_136 {strides = array<i32>} : memref<4096xf32, #tpu.memory_space<vmem>>, vector<16xf32>,
        %scan3A_140 = arith.constant 1 : i32
        %scan3A_141 = arith.addi %scan3A_123, %scan3A_140 : i32
        %mul3A_142 = arith.constant 16 : i32
        %mul3A_143 = arith.muli %scan3A_141, %mul3A_142 : i32
        %get3A_144 = arith.index_cast %mul3A_143 : i32 to index
        %get3A_145 = tpu.vector_load %arg9[%get3A_144] {strides = array<i32>} : memref<4096xi32, #tpu.memory_space<vmem>>, vector<16xi32>,
        %ge3A_146 = arith.constant 49920 : i32
        %ge3A_147 = vector.broadcast %ge3A_146 : i32 to vector<16xi32>
        %ge3A_148 = arith.cmpi sge, %get3A_145, %ge3A_147 : vector<16xi32>
        %sub3A_149 = arith.constant 49920 : i32
        %sub3A_150 = vector.broadcast %sub3A_149 : i32 to vector<16xi32>
        %sub3A_151 = arith.subi %get3A_145, %sub3A_150 : vector<16xi32>
        %gather3A_152 = tpu.vector_load_idx %arg8[%sub3A_151] masked %ge3A_148 : memref<50080xf32, #tpu.memory_space<vmem>>[vector<16xi32>], vector<16xf32>, vector<16xi1>
        %mul3A_153 = arith.constant 16 : i32
        %mul3A_154 = arith.muli %scan3A_141, %mul3A_153 : i32
        %get3A_155 = arith.index_cast %mul3A_154 : i32 to index
        %get3A_156 = tpu.vector_load %arg10[%get3A_155] {strides = array<i32>} : memref<4096xf32, #tpu.memory_space<vmem>>, vector<16xf32>,
        %select_n3A_157 = arith.select %ge3A_148, %gather3A_152, %get3A_156 : vector<16xi1>, vector<16xf32>
        %mul3A_158 = arith.constant 16 : i32
        %mul3A_159 = arith.muli %scan3A_141, %mul3A_158 : i32
        %swap3A_160 = arith.index_cast %mul3A_159 : i32 to index
        %swap3A_161 = tpu.vector_load %arg10[%swap3A_160] {strides = array<i32>} : memref<4096xf32, #tpu.memory_space<vmem>>, vector<16xf32>,
        tpu.vector_store %arg10[%swap3A_160], %select_n3A_157 {strides = array<i32>} : memref<4096xf32, #tpu.memory_space<vmem>>, vector<16xf32>,
        %scan3A_162 = arith.constant 2 : i32
        %scan3A_163 = arith.addi %scan3A_123, %scan3A_162 : i32
        %mul3A_164 = arith.constant 16 : i32
        %mul3A_165 = arith.muli %scan3A_163, %mul3A_164 : i32
        %get3A_166 = arith.index_cast %mul3A_165 : i32 to index
        %get3A_167 = tpu.vector_load %arg9[%get3A_166] {strides = array<i32>} : memref<4096xi32, #tpu.memory_space<vmem>>, vector<16xi32>,
        %ge3A_168 = arith.constant 49920 : i32
        %ge3A_169 = vector.broadcast %ge3A_168 : i32 to vector<16xi32>
        %ge3A_170 = arith.cmpi sge, %get3A_167, %ge3A_169 : vector<16xi32>
        %sub3A_171 = arith.constant 49920 : i32
        %sub3A_172 = vector.broadcast %sub3A_171 : i32 to vector<16xi32>
        %sub3A_173 = arith.subi %get3A_167, %sub3A_172 : vector<16xi32>
        %gather3A_174 = tpu.vector_load_idx %arg8[%sub3A_173] masked %ge3A_170 : memref<50080xf32, #tpu.memory_space<vmem>>[vector<16xi32>], vector<16xf32>, vector<16xi1>
        %mul3A_175 = arith.constant 16 : i32
        %mul3A_176 = arith.muli %scan3A_163, %mul3A_175 : i32
        %get3A_177 = arith.index_cast %mul3A_176 : i32 to index
        %get3A_178 = tpu.vector_load %arg10[%get3A_177] {strides = array<i32>} : memref<4096xf32, #tpu.memory_space<vmem>>, vector<16xf32>,
        %select_n3A_179 = arith.select %ge3A_170, %gather3A_174, %get3A_178 : vector<16xi1>, vector<16xf32>
        %mul3A_180 = arith.constant 16 : i32
        %mul3A_181 = arith.muli %scan3A_163, %mul3A_180 : i32
        %swap3A_182 = arith.index_cast %mul3A_181 : i32 to index
        %swap3A_183 = tpu.vector_load %arg10[%swap3A_182] {strides = array<i32>} : memref<4096xf32, #tpu.memory_space<vmem>>, vector<16xf32>,
        tpu.vector_store %arg10[%swap3A_182], %select_n3A_179 {strides = array<i32>} : memref<4096xf32, #tpu.memory_space<vmem>>, vector<16xf32>,
        %scan3A_184 = arith.constant 3 : i32
        %scan3A_185 = arith.addi %scan3A_123, %scan3A_184 : i32
        %mul3A_186 = arith.constant 16 : i32
        %mul3A_187 = arith.muli %scan3A_185, %mul3A_186 : i32
        %get3A_188 = arith.index_cast %mul3A_187 : i32 to index
        %get3A_189 = tpu.vector_load %arg9[%get3A_188] {strides = array<i32>} : memref<4096xi32, #tpu.memory_space<vmem>>, vector<16xi32>,
        %ge3A_190 = arith.constant 49920 : i32
        %ge3A_191 = vector.broadcast %ge3A_190 : i32 to vector<16xi32>
        %ge3A_192 = arith.cmpi sge, %get3A_189, %ge3A_191 : vector<16xi32>
        %sub3A_193 = arith.constant 49920 : i32
        %sub3A_194 = vector.broadcast %sub3A_193 : i32 to vector<16xi32>
        %sub3A_195 = arith.subi %get3A_189, %sub3A_194 : vector<16xi32>
        %gather3A_196 = tpu.vector_load_idx %arg8[%sub3A_195] masked %ge3A_192 : memref<50080xf32, #tpu.memory_space<vmem>>[vector<16xi32>], vector<16xf32>, vector<16xi1>
        %mul3A_197 = arith.constant 16 : i32
        %mul3A_198 = arith.muli %scan3A_185, %mul3A_197 : i32
        %get3A_199 = arith.index_cast %mul3A_198 : i32 to index
        %get3A_200 = tpu.vector_load %arg10[%get3A_199] {strides = array<i32>} : memref<4096xf32, #tpu.memory_space<vmem>>, vector<16xf32>,
        %select_n3A_201 = arith.select %ge3A_192, %gather3A_196, %get3A_200 : vector<16xi1>, vector<16xf32>
        %mul3A_202 = arith.constant 16 : i32
        %mul3A_203 = arith.muli %scan3A_185, %mul3A_202 : i32
        %swap3A_204 = arith.index_cast %mul3A_203 : i32 to index
        %swap3A_205 = tpu.vector_load %arg10[%swap3A_204] {strides = array<i32>} : memref<4096xf32, #tpu.memory_space<vmem>>, vector<16xf32>,
        tpu.vector_store %arg10[%swap3A_204], %select_n3A_201 {strides = array<i32>} : memref<4096xf32, #tpu.memory_space<vmem>>, vector<16xf32>,
        %scan3A_206 = arith.constant 4 : i32
        %scan3A_207 = arith.addi %scan3A_123, %scan3A_206 : i32
        %mul3A_208 = arith.constant 16 : i32
        %mul3A_209 = arith.muli %scan3A_207, %mul3A_208 : i32
        %get3A_210 = arith.index_cast %mul3A_209 : i32 to index
        %get3A_211 = tpu.vector_load %arg9[%get3A_210] {strides = array<i32>} : memref<4096xi32, #tpu.memory_space<vmem>>, vector<16xi32>,
        %ge3A_212 = arith.constant 49920 : i32
        %ge3A_213 = vector.broadcast %ge3A_212 : i32 to vector<16xi32>
        %ge3A_214 = arith.cmpi sge, %get3A_211, %ge3A_213 : vector<16xi32>
        %sub3A_215 = arith.constant 49920 : i32
        %sub3A_216 = vector.broadcast %sub3A_215 : i32 to vector<16xi32>
        %sub3A_217 = arith.subi %get3A_211, %sub3A_216 : vector<16xi32>
        %gather3A_218 = tpu.vector_load_idx %arg8[%sub3A_217] masked %ge3A_214 : memref<50080xf32, #tpu.memory_space<vmem>>[vector<16xi32>], vector<16xf32>, vector<16xi1>
        %mul3A_219 = arith.constant 16 : i32
        %mul3A_220 = arith.muli %scan3A_207, %mul3A_219 : i32
        %get3A_221 = arith.index_cast %mul3A_220 : i32 to index
        %get3A_222 = tpu.vector_load %arg10[%get3A_221] {strides = array<i32>} : memref<4096xf32, #tpu.memory_space<vmem>>, vector<16xf32>,
        %select_n3A_223 = arith.select %ge3A_214, %gather3A_218, %get3A_222 : vector<16xi1>, vector<16xf32>
        %mul3A_224 = arith.constant 16 : i32
        %mul3A_225 = arith.muli %scan3A_207, %mul3A_224 : i32
        %swap3A_226 = arith.index_cast %mul3A_225 : i32 to index
        %swap3A_227 = tpu.vector_load %arg10[%swap3A_226] {strides = array<i32>} : memref<4096xf32, #tpu.memory_space<vmem>>, vector<16xf32>,
        tpu.vector_store %arg10[%swap3A_226], %select_n3A_223 {strides = array<i32>} : memref<4096xf32, #tpu.memory_space<vmem>>, vector<16xf32>,
        %scan3A_228 = arith.constant 5 : i32
        %scan3A_229 = arith.addi %scan3A_123, %scan3A_228 : i32
        %mul3A_230 = arith.constant 16 : i32
        %mul3A_231 = arith.muli %scan3A_229, %mul3A_230 : i32
        %get3A_232 = arith.index_cast %mul3A_231 : i32 to index
        %get3A_233 = tpu.vector_load %arg9[%get3A_232] {strides = array<i32>} : memref<4096xi32, #tpu.memory_space<vmem>>, vector<16xi32>,
        %ge3A_234 = arith.constant 49920 : i32
        %ge3A_235 = vector.broadcast %ge3A_234 : i32 to vector<16xi32>
        %ge3A_236 = arith.cmpi sge, %get3A_233, %ge3A_235 : vector<16xi32>
        %sub3A_237 = arith.constant 49920 : i32
        %sub3A_238 = vector.broadcast %sub3A_237 : i32 to vector<16xi32>
        %sub3A_239 = arith.subi %get3A_233, %sub3A_238 : vector<16xi32>
        %gather3A_240 = tpu.vector_load_idx %arg8[%sub3A_239] masked %ge3A_236 : memref<50080xf32, #tpu.memory_space<vmem>>[vector<16xi32>], vector<16xf32>, vector<16xi1>
        %mul3A_241 = arith.constant 16 : i32
        %mul3A_242 = arith.muli %scan3A_229, %mul3A_241 : i32
        %get3A_243 = arith.index_cast %mul3A_242 : i32 to index
        %get3A_244 = tpu.vector_load %arg10[%get3A_243] {strides = array<i32>} : memref<4096xf32, #tpu.memory_space<vmem>>, vector<16xf32>,
        %select_n3A_245 = arith.select %ge3A_236, %gather3A_240, %get3A_244 : vector<16xi1>, vector<16xf32>
        %mul3A_246 = arith.constant 16 : i32
        %mul3A_247 = arith.muli %scan3A_229, %mul3A_246 : i32
        %swap3A_248 = arith.index_cast %mul3A_247 : i32 to index
        %swap3A_249 = tpu.vector_load %arg10[%swap3A_248] {strides = array<i32>} : memref<4096xf32, #tpu.memory_space<vmem>>, vector<16xf32>,
        tpu.vector_store %arg10[%swap3A_248], %select_n3A_245 {strides = array<i32>} : memref<4096xf32, #tpu.memory_space<vmem>>, vector<16xf32>,
        %scan3A_250 = arith.constant 6 : i32
        %scan3A_251 = arith.addi %scan3A_123, %scan3A_250 : i32
        %mul3A_252 = arith.constant 16 : i32
        %mul3A_253 = arith.muli %scan3A_251, %mul3A_252 : i32
        %get3A_254 = arith.index_cast %mul3A_253 : i32 to index
        %get3A_255 = tpu.vector_load %arg9[%get3A_254] {strides = array<i32>} : memref<4096xi32, #tpu.memory_space<vmem>>, vector<16xi32>,
        %ge3A_256 = arith.constant 49920 : i32
        %ge3A_257 = vector.broadcast %ge3A_256 : i32 to vector<16xi32>
        %ge3A_258 = arith.cmpi sge, %get3A_255, %ge3A_257 : vector<16xi32>
        %sub3A_259 = arith.constant 49920 : i32
        %sub3A_260 = vector.broadcast %sub3A_259 : i32 to vector<16xi32>
        %sub3A_261 = arith.subi %get3A_255, %sub3A_260 : vector<16xi32>
        %gather3A_262 = tpu.vector_load_idx %arg8[%sub3A_261] masked %ge3A_258 : memref<50080xf32, #tpu.memory_space<vmem>>[vector<16xi32>], vector<16xf32>, vector<16xi1>
        %mul3A_263 = arith.constant 16 : i32
        %mul3A_264 = arith.muli %scan3A_251, %mul3A_263 : i32
        %get3A_265 = arith.index_cast %mul3A_264 : i32 to index
        %get3A_266 = tpu.vector_load %arg10[%get3A_265] {strides = array<i32>} : memref<4096xf32, #tpu.memory_space<vmem>>, vector<16xf32>,
        %select_n3A_267 = arith.select %ge3A_258, %gather3A_262, %get3A_266 : vector<16xi1>, vector<16xf32>
        %mul3A_268 = arith.constant 16 : i32
        %mul3A_269 = arith.muli %scan3A_251, %mul3A_268 : i32
        %swap3A_270 = arith.index_cast %mul3A_269 : i32 to index
        %swap3A_271 = tpu.vector_load %arg10[%swap3A_270] {strides = array<i32>} : memref<4096xf32, #tpu.memory_space<vmem>>, vector<16xf32>,
        tpu.vector_store %arg10[%swap3A_270], %select_n3A_267 {strides = array<i32>} : memref<4096xf32, #tpu.memory_space<vmem>>, vector<16xf32>,
        %scan3A_272 = arith.constant 7 : i32
        %scan3A_273 = arith.addi %scan3A_123, %scan3A_272 : i32
        %mul3A_274 = arith.constant 16 : i32
        %mul3A_275 = arith.muli %scan3A_273, %mul3A_274 : i32
        %get3A_276 = arith.index_cast %mul3A_275 : i32 to index
        %get3A_277 = tpu.vector_load %arg9[%get3A_276] {strides = array<i32>} : memref<4096xi32, #tpu.memory_space<vmem>>, vector<16xi32>,
        %ge3A_278 = arith.constant 49920 : i32
        %ge3A_279 = vector.broadcast %ge3A_278 : i32 to vector<16xi32>
        %ge3A_280 = arith.cmpi sge, %get3A_277, %ge3A_279 : vector<16xi32>
        %sub3A_281 = arith.constant 49920 : i32
        %sub3A_282 = vector.broadcast %sub3A_281 : i32 to vector<16xi32>
        %sub3A_283 = arith.subi %get3A_277, %sub3A_282 : vector<16xi32>
        %gather3A_284 = tpu.vector_load_idx %arg8[%sub3A_283] masked %ge3A_280 : memref<50080xf32, #tpu.memory_space<vmem>>[vector<16xi32>], vector<16xf32>, vector<16xi1>
        %mul3A_285 = arith.constant 16 : i32
        %mul3A_286 = arith.muli %scan3A_273, %mul3A_285 : i32
        %get3A_287 = arith.index_cast %mul3A_286 : i32 to index
        %get3A_288 = tpu.vector_load %arg10[%get3A_287] {strides = array<i32>} : memref<4096xf32, #tpu.memory_space<vmem>>, vector<16xf32>,
        %select_n3A_289 = arith.select %ge3A_280, %gather3A_284, %get3A_288 : vector<16xi1>, vector<16xf32>
        %mul3A_290 = arith.constant 16 : i32
        %mul3A_291 = arith.muli %scan3A_273, %mul3A_290 : i32
        %swap3A_292 = arith.index_cast %mul3A_291 : i32 to index
        %swap3A_293 = tpu.vector_load %arg10[%swap3A_292] {strides = array<i32>} : memref<4096xf32, #tpu.memory_space<vmem>>, vector<16xf32>,
        tpu.vector_store %arg10[%swap3A_292], %select_n3A_289 {strides = array<i32>} : memref<4096xf32, #tpu.memory_space<vmem>>, vector<16xf32>,
      }
      %scan3A_94 = arith.constant 256 : i32
      %add3A_95 = arith.constant 1 : i32
      %add3A_96 = arith.addi %while3A_50, %add3A_95 : i32
      %lt3A_97 = arith.cmpi slt, %add3A_96, %add3A_4 : i32
      %convert_element_type3A_98 = arith.extui %lt3A_97 : i1 to i32
      %cond3A_99 = arith.constant 0 : i32
      %cond3A_100 = arith.cmpi ne, %convert_element_type3A_98, %cond3A_99 : i32
      scf.if %cond3A_100 {
        %add3A_123 = arith.constant 1 : i32
        %add3A_124 = arith.addi %while3A_50, %add3A_123 : i32
        %dma_start3A_125 = arith.constant 0 : i32
        %dma_start3A_126 = tpu.memref_slice %arg2[%add3A_124, %dma_start3A_125] : memref<416x100000xf32, #tpu.memory_space<hbm>> -> memref<1x100000xf32, #tpu.memory_space<hbm>>
        %dma_start3A_127 = tpu.memref_squeeze %dma_start3A_126 : memref<1x100000xf32, #tpu.memory_space<hbm>> -> memref<100000xf32, #tpu.memory_space<hbm>>
        %dma_start3A_128 = arith.constant 49920 : i32
        %dma_start3A_129 = tpu.memref_slice %dma_start3A_127[%dma_start3A_128] : memref<100000xf32, #tpu.memory_space<hbm>> -> memref<50080xf32, #tpu.memory_space<hbm>>
        %dma_start3A_130 = arith.constant 0 : i32
        %dma_start3A_131 = tpu.memref_slice %arg2[%add3A_124, %dma_start3A_130] : memref<416x100000xf32, #tpu.memory_space<hbm>> -> memref<1x100000xf32, #tpu.memory_space<hbm>>
        %dma_start3A_132 = tpu.memref_squeeze %dma_start3A_131 : memref<1x100000xf32, #tpu.memory_space<hbm>> -> memref<100000xf32, #tpu.memory_space<hbm>>
        %dma_start3A_133 = arith.constant 49920 : i32
        %dma_start3A_134 = tpu.memref_slice %dma_start3A_132[%dma_start3A_133] : memref<100000xf32, #tpu.memory_space<hbm>> -> memref<50080xf32, #tpu.memory_space<hbm>>
        tpu.enqueue_dma source(%dma_start3A_134 : memref<50080xf32, #tpu.memory_space<hbm>>) target(%arg8 : memref<50080xf32, #tpu.memory_space<vmem>>) target_semaphore(%arg12 : memref<!tpu.dma_semaphore, #tpu.memory_space<semaphore_mem>>)
      } else {
      }
      %add3A_101 = arith.constant 1 : i32
      %add3A_102 = arith.addi %while3A_50, %add3A_101 : i32
      %eq3A_103 = arith.cmpi eq, %add3A_102, %add3A_4 : i32
      %lt3A_104 = arith.constant 26 : i32
      %lt3A_105 = arith.cmpi slt, %add3A, %lt3A_104 : i32
      %and3A_106 = arith.andi %eq3A_103, %lt3A_105 : i1
      %convert_element_type3A_107 = arith.extui %and3A_106 : i1 to i32
      %cond3A_108 = arith.constant 0 : i32
      %cond3A_109 = arith.cmpi ne, %convert_element_type3A_107, %cond3A_108 : i32
      scf.if %cond3A_109 {
        %dma_start3A_123 = arith.constant 0 : i32
        %dma_start3A_124 = tpu.memref_slice %arg3[%add3A, %dma_start3A_123] : memref<26x100000xf32, #tpu.memory_space<hbm>> -> memref<1x100000xf32, #tpu.memory_space<hbm>>
        %dma_start3A_125 = tpu.memref_squeeze %dma_start3A_124 : memref<1x100000xf32, #tpu.memory_space<hbm>> -> memref<100000xf32, #tpu.memory_space<hbm>>
        %dma_start3A_126 = arith.constant 49920 : i32
        %dma_start3A_127 = tpu.memref_slice %dma_start3A_125[%dma_start3A_126] : memref<100000xf32, #tpu.memory_space<hbm>> -> memref<50080xf32, #tpu.memory_space<hbm>>
        %dma_start3A_128 = arith.constant 0 : i32
        %dma_start3A_129 = tpu.memref_slice %arg3[%add3A, %dma_start3A_128] : memref<26x100000xf32, #tpu.memory_space<hbm>> -> memref<1x100000xf32, #tpu.memory_space<hbm>>
        %dma_start3A_130 = tpu.memref_squeeze %dma_start3A_129 : memref<1x100000xf32, #tpu.memory_space<hbm>> -> memref<100000xf32, #tpu.memory_space<hbm>>
        %dma_start3A_131 = arith.constant 49920 : i32
        %dma_start3A_132 = tpu.memref_slice %dma_start3A_130[%dma_start3A_131] : memref<100000xf32, #tpu.memory_space<hbm>> -> memref<50080xf32, #tpu.memory_space<hbm>>
        tpu.enqueue_dma source(%dma_start3A_132 : memref<50080xf32, #tpu.memory_space<hbm>>) target(%arg8 : memref<50080xf32, #tpu.memory_space<vmem>>) target_semaphore(%arg12 : memref<!tpu.dma_semaphore, #tpu.memory_space<semaphore_mem>>)
      } else {
      }
      "tpu.region"() ({
        %run_scoped3A = tpu.sem_alloc : memref<!tpu.dma_semaphore, #tpu.memory_space<semaphore_mem>>
        %dma_start3A_123 = arith.constant 0 : i32
        %dma_start3A_124 = tpu.memref_slice %arg5[%while3A_50, %dma_start3A_123] : memref<416x4096xf32, #tpu.memory_space<hbm>> -> memref<1x4096xf32, #tpu.memory_space<hbm>>
        %dma_start3A_125 = tpu.memref_squeeze %dma_start3A_124 : memref<1x4096xf32, #tpu.memory_space<hbm>> -> memref<4096xf32, #tpu.memory_space<hbm>>
        %dma_start3A_126 = arith.constant 0 : i32
        %dma_start3A_127 = tpu.memref_slice %arg5[%while3A_50, %dma_start3A_126] : memref<416x4096xf32, #tpu.memory_space<hbm>> -> memref<1x4096xf32, #tpu.memory_space<hbm>>
        %dma_start3A_128 = tpu.memref_squeeze %dma_start3A_127 : memref<1x4096xf32, #tpu.memory_space<hbm>> -> memref<4096xf32, #tpu.memory_space<hbm>>
        tpu.enqueue_dma source(%arg10 : memref<4096xf32, #tpu.memory_space<vmem>>) target(%dma_start3A_128 : memref<4096xf32, #tpu.memory_space<hbm>>) target_semaphore(%run_scoped3A : memref<!tpu.dma_semaphore, #tpu.memory_space<semaphore_mem>>)
        %dma_wait3A_129 = arith.constant 0 : i32
        %dma_wait3A_130 = tpu.memref_slice %arg5[%while3A_50, %dma_wait3A_129] : memref<416x4096xf32, #tpu.memory_space<hbm>> -> memref<1x4096xf32, #tpu.memory_space<hbm>>
        %dma_wait3A_131 = tpu.memref_squeeze %dma_wait3A_130 : memref<1x4096xf32, #tpu.memory_space<hbm>> -> memref<4096xf32, #tpu.memory_space<hbm>>
        %dma_wait3A_132 = arith.constant 0 : i32
        %dma_wait3A_133 = tpu.memref_slice %arg5[%while3A_50, %dma_wait3A_132] : memref<416x4096xf32, #tpu.memory_space<hbm>> -> memref<1x4096xf32, #tpu.memory_space<hbm>>
        %dma_wait3A_134 = tpu.memref_squeeze %dma_wait3A_133 : memref<1x4096xf32, #tpu.memory_space<hbm>> -> memref<4096xf32, #tpu.memory_space<hbm>>
        tpu.wait_dma2 semaphore(%run_scoped3A : memref<!tpu.dma_semaphore, #tpu.memory_space<semaphore_mem>>) src(%arg10 : memref<4096xf32, #tpu.memory_space<vmem>>) dst(%dma_wait3A_134 : memref<4096xf32, #tpu.memory_space<hbm>>)
        tpu.yield
      }) : () -> ()
      %add3A_110 = arith.constant 1 : i32
      %add3A_111 = arith.addi %while3A_50, %add3A_110 : i32
      %lt3A_112 = arith.cmpi slt, %add3A_111, %add3A_4 : i32
      %add3A_113 = arith.constant 1 : i32
      %add3A_114 = arith.addi %while3A_50, %add3A_113 : i32
      %rem3A_115 = arith.constant 16 : i32
      %rem3A_116 = arith.remsi %add3A_114, %rem3A_115 : i32
      %eq3A_117 = arith.constant 0 : i32
      %eq3A_118 = arith.cmpi eq, %rem3A_116, %eq3A_117 : i32
      %and3A_119 = arith.andi %lt3A_112, %eq3A_118 : i1
      %convert_element_type3A_120 = arith.extui %and3A_119 : i1 to i32
      %cond3A_121 = arith.constant 0 : i32
      %cond3A_122 = arith.cmpi ne, %convert_element_type3A_120, %cond3A_121 : i32
      scf.if %cond3A_122 {
        %add3A_123 = arith.constant 1 : i32
        %add3A_124 = arith.addi %while3A_50, %add3A_123 : i32
        %jit3A_125 = arith.constant 16 : i32
        %div3A_126 = arith.divsi %add3A_124, %jit3A_125 : i32
        %sign3A_127 = arith.constant 0 : i32
        %sign3A_128 = arith.cmpi sgt, %add3A_124, %sign3A_127 : i32
        %sign3A_129 = arith.extui %sign3A_128 : i1 to i32
        %sign3A_130 = arith.constant 0 : i32
        %sign3A_131 = arith.cmpi slt, %add3A_124, %sign3A_130 : i32
        %sign3A_132 = arith.extui %sign3A_131 : i1 to i32
        %sign3A_133 = arith.subi %sign3A_129, %sign3A_132 : i32
        %sign3A_134 = arith.constant 0 : i32
        %sign3A_135 = arith.cmpi sgt, %jit3A_125, %sign3A_134 : i32
        %sign3A_136 = arith.extui %sign3A_135 : i1 to i32
        %sign3A_137 = arith.constant 0 : i32
        %sign3A_138 = arith.cmpi slt, %jit3A_125, %sign3A_137 : i32
        %sign3A_139 = arith.extui %sign3A_138 : i1 to i32
        %sign3A_140 = arith.subi %sign3A_136, %sign3A_139 : i32
        %ne3A_141 = arith.cmpi ne, %sign3A_133, %sign3A_140 : i32
        %rem3A_142 = arith.remsi %add3A_124, %jit3A_125 : i32
        %ne3A_143 = arith.constant 0 : i32
        %ne3A_144 = arith.cmpi ne, %rem3A_142, %ne3A_143 : i32
        %and3A_145 = arith.andi %ne3A_141, %ne3A_144 : i1
        %sub3A_146 = arith.constant 1 : i32
        %sub3A_147 = arith.subi %div3A_126, %sub3A_146 : i32
        %select_n3A_148 = arith.select %and3A_145, %sub3A_147, %div3A_126 : i32
        "tpu.region"() ({
          %run_scoped3A = tpu.sem_alloc : memref<!tpu.dma_semaphore, #tpu.memory_space<semaphore_mem>>
          %dma_start3A_149 = arith.constant 0 : i32
          %dma_start3A_150 = tpu.memref_slice %arg4[%select_n3A_148, %dma_start3A_149] : memref<26x4096xi32, #tpu.memory_space<hbm>> -> memref<1x4096xi32, #tpu.memory_space<hbm>>
          %dma_start3A_151 = tpu.memref_squeeze %dma_start3A_150 : memref<1x4096xi32, #tpu.memory_space<hbm>> -> memref<4096xi32, #tpu.memory_space<hbm>>
          %dma_start3A_152 = arith.constant 0 : i32
          %dma_start3A_153 = tpu.memref_slice %arg4[%select_n3A_148, %dma_start3A_152] : memref<26x4096xi32, #tpu.memory_space<hbm>> -> memref<1x4096xi32, #tpu.memory_space<hbm>>
          %dma_start3A_154 = tpu.memref_squeeze %dma_start3A_153 : memref<1x4096xi32, #tpu.memory_space<hbm>> -> memref<4096xi32, #tpu.memory_space<hbm>>
          tpu.enqueue_dma source(%dma_start3A_154 : memref<4096xi32, #tpu.memory_space<hbm>>) target(%arg9 : memref<4096xi32, #tpu.memory_space<vmem>>) target_semaphore(%run_scoped3A : memref<!tpu.dma_semaphore, #tpu.memory_space<semaphore_mem>>)
          %dma_wait3A_155 = arith.constant 0 : i32
          %dma_wait3A_156 = tpu.memref_slice %arg4[%select_n3A_148, %dma_wait3A_155] : memref<26x4096xi32, #tpu.memory_space<hbm>> -> memref<1x4096xi32, #tpu.memory_space<hbm>>
          %dma_wait3A_157 = tpu.memref_squeeze %dma_wait3A_156 : memref<1x4096xi32, #tpu.memory_space<hbm>> -> memref<4096xi32, #tpu.memory_space<hbm>>
          %dma_wait3A_158 = arith.constant 0 : i32
          %dma_wait3A_159 = tpu.memref_slice %arg4[%select_n3A_148, %dma_wait3A_158] : memref<26x4096xi32, #tpu.memory_space<hbm>> -> memref<1x4096xi32, #tpu.memory_space<hbm>>
          %dma_wait3A_160 = tpu.memref_squeeze %dma_wait3A_159 : memref<1x4096xi32, #tpu.memory_space<hbm>> -> memref<4096xi32, #tpu.memory_space<hbm>>
          tpu.wait_dma2 semaphore(%run_scoped3A : memref<!tpu.dma_semaphore, #tpu.memory_space<semaphore_mem>>) src(%dma_wait3A_160 : memref<4096xi32, #tpu.memory_space<hbm>>) dst(%arg9 : memref<4096xi32, #tpu.memory_space<vmem>>)
          tpu.yield
        }) : () -> ()
      } else {
      }
    }
    %while3A_47 = arith.constant 1 : i32
    scf.for %while3A_50 = %while3A_45 to %while3A_41 step %while3A_47  : i32 {
      %dma_wait3A = arith.constant 0 : i32
      %dma_wait3A_51 = tpu.memref_slice %arg2[%while3A_50, %dma_wait3A] : memref<416x100000xf32, #tpu.memory_space<hbm>> -> memref<1x100000xf32, #tpu.memory_space<hbm>>
      %dma_wait3A_52 = tpu.memref_squeeze %dma_wait3A_51 : memref<1x100000xf32, #tpu.memory_space<hbm>> -> memref<100000xf32, #tpu.memory_space<hbm>>
      %dma_wait3A_53 = arith.constant 0 : i32
      %dma_wait3A_54 = tpu.memref_slice %dma_wait3A_52[%dma_wait3A_53] : memref<100000xf32, #tpu.memory_space<hbm>> -> memref<49920xf32, #tpu.memory_space<hbm>>
      %dma_wait3A_55 = arith.constant 0 : i32
      %dma_wait3A_56 = tpu.memref_slice %arg2[%while3A_50, %dma_wait3A_55] : memref<416x100000xf32, #tpu.memory_space<hbm>> -> memref<1x100000xf32, #tpu.memory_space<hbm>>
      %dma_wait3A_57 = tpu.memref_squeeze %dma_wait3A_56 : memref<1x100000xf32, #tpu.memory_space<hbm>> -> memref<100000xf32, #tpu.memory_space<hbm>>
      %dma_wait3A_58 = arith.constant 0 : i32
      %dma_wait3A_59 = tpu.memref_slice %dma_wait3A_57[%dma_wait3A_58] : memref<100000xf32, #tpu.memory_space<hbm>> -> memref<49920xf32, #tpu.memory_space<hbm>>
      tpu.wait_dma2 semaphore(%arg11 : memref<!tpu.dma_semaphore, #tpu.memory_space<semaphore_mem>>) src(%dma_wait3A_59 : memref<49920xf32, #tpu.memory_space<hbm>>) dst(%arg7 : memref<49920xf32, #tpu.memory_space<vmem>>)
      %scan3A = arith.constant 0 : i32
      %scan3A_60 = arith.constant 0 : i32
      %scan3A_61 = arith.constant 256 : i32
      %scan3A_62 = arith.addi %scan3A_60, %scan3A_61 : i32
      %scan3A_63 = arith.constant 8 : i32
      scf.for %scan3A_123 = %scan3A_60 to %scan3A_62 step %scan3A_63  : i32 {
        %mul3A_124 = arith.constant 16 : i32
        %mul3A_125 = arith.muli %scan3A_123, %mul3A_124 : i32
        %get3A = arith.index_cast %mul3A_125 : i32 to index
        %get3A_126 = tpu.vector_load %arg9[%get3A] {strides = array<i32>} : memref<4096xi32, #tpu.memory_space<vmem>>, vector<16xi32>,
        %lt3A_127 = arith.constant 49920 : i32
        %lt3A_128 = vector.broadcast %lt3A_127 : i32 to vector<16xi32>
        %lt3A_129 = arith.cmpi slt, %get3A_126, %lt3A_128 : vector<16xi32>
        %gather3A = tpu.vector_load_idx %arg7[%get3A_126] masked %lt3A_129 : memref<49920xf32, #tpu.memory_space<vmem>>[vector<16xi32>], vector<16xf32>, vector<16xi1>
        %mul3A_130 = arith.constant 16 : i32
        %mul3A_131 = arith.muli %scan3A_123, %mul3A_130 : i32
        %swap3A = arith.index_cast %mul3A_131 : i32 to index
        %swap3A_132 = tpu.vector_load %arg10[%swap3A] {strides = array<i32>} : memref<4096xf32, #tpu.memory_space<vmem>>, vector<16xf32>,
        tpu.vector_store %arg10[%swap3A], %gather3A {strides = array<i32>} : memref<4096xf32, #tpu.memory_space<vmem>>, vector<16xf32>,
        %scan3A_133 = arith.constant 1 : i32
        %scan3A_134 = arith.addi %scan3A_123, %scan3A_133 : i32
        %mul3A_135 = arith.constant 16 : i32
        %mul3A_136 = arith.muli %scan3A_134, %mul3A_135 : i32
        %get3A_137 = arith.index_cast %mul3A_136 : i32 to index
        %get3A_138 = tpu.vector_load %arg9[%get3A_137] {strides = array<i32>} : memref<4096xi32, #tpu.memory_space<vmem>>, vector<16xi32>,
        %lt3A_139 = arith.constant 49920 : i32
        %lt3A_140 = vector.broadcast %lt3A_139 : i32 to vector<16xi32>
        %lt3A_141 = arith.cmpi slt, %get3A_138, %lt3A_140 : vector<16xi32>
        %gather3A_142 = tpu.vector_load_idx %arg7[%get3A_138] masked %lt3A_141 : memref<49920xf32, #tpu.memory_space<vmem>>[vector<16xi32>], vector<16xf32>, vector<16xi1>
        %mul3A_143 = arith.constant 16 : i32
        %mul3A_144 = arith.muli %scan3A_134, %mul3A_143 : i32
        %swap3A_145 = arith.index_cast %mul3A_144 : i32 to index
        %swap3A_146 = tpu.vector_load %arg10[%swap3A_145] {strides = array<i32>} : memref<4096xf32, #tpu.memory_space<vmem>>, vector<16xf32>,
        tpu.vector_store %arg10[%swap3A_145], %gather3A_142 {strides = array<i32>} : memref<4096xf32, #tpu.memory_space<vmem>>, vector<16xf32>,
        %scan3A_147 = arith.constant 2 : i32
        %scan3A_148 = arith.addi %scan3A_123, %scan3A_147 : i32
        %mul3A_149 = arith.constant 16 : i32
        %mul3A_150 = arith.muli %scan3A_148, %mul3A_149 : i32
        %get3A_151 = arith.index_cast %mul3A_150 : i32 to index
        %get3A_152 = tpu.vector_load %arg9[%get3A_151] {strides = array<i32>} : memref<4096xi32, #tpu.memory_space<vmem>>, vector<16xi32>,
        %lt3A_153 = arith.constant 49920 : i32
        %lt3A_154 = vector.broadcast %lt3A_153 : i32 to vector<16xi32>
        %lt3A_155 = arith.cmpi slt, %get3A_152, %lt3A_154 : vector<16xi32>
        %gather3A_156 = tpu.vector_load_idx %arg7[%get3A_152] masked %lt3A_155 : memref<49920xf32, #tpu.memory_space<vmem>>[vector<16xi32>], vector<16xf32>, vector<16xi1>
        %mul3A_157 = arith.constant 16 : i32
        %mul3A_158 = arith.muli %scan3A_148, %mul3A_157 : i32
        %swap3A_159 = arith.index_cast %mul3A_158 : i32 to index
        %swap3A_160 = tpu.vector_load %arg10[%swap3A_159] {strides = array<i32>} : memref<4096xf32, #tpu.memory_space<vmem>>, vector<16xf32>,
        tpu.vector_store %arg10[%swap3A_159], %gather3A_156 {strides = array<i32>} : memref<4096xf32, #tpu.memory_space<vmem>>, vector<16xf32>,
        %scan3A_161 = arith.constant 3 : i32
        %scan3A_162 = arith.addi %scan3A_123, %scan3A_161 : i32
        %mul3A_163 = arith.constant 16 : i32
        %mul3A_164 = arith.muli %scan3A_162, %mul3A_163 : i32
        %get3A_165 = arith.index_cast %mul3A_164 : i32 to index
        %get3A_166 = tpu.vector_load %arg9[%get3A_165] {strides = array<i32>} : memref<4096xi32, #tpu.memory_space<vmem>>, vector<16xi32>,
        %lt3A_167 = arith.constant 49920 : i32
        %lt3A_168 = vector.broadcast %lt3A_167 : i32 to vector<16xi32>
        %lt3A_169 = arith.cmpi slt, %get3A_166, %lt3A_168 : vector<16xi32>
        %gather3A_170 = tpu.vector_load_idx %arg7[%get3A_166] masked %lt3A_169 : memref<49920xf32, #tpu.memory_space<vmem>>[vector<16xi32>], vector<16xf32>, vector<16xi1>
        %mul3A_171 = arith.constant 16 : i32
        %mul3A_172 = arith.muli %scan3A_162, %mul3A_171 : i32
        %swap3A_173 = arith.index_cast %mul3A_172 : i32 to index
        %swap3A_174 = tpu.vector_load %arg10[%swap3A_173] {strides = array<i32>} : memref<4096xf32, #tpu.memory_space<vmem>>, vector<16xf32>,
        tpu.vector_store %arg10[%swap3A_173], %gather3A_170 {strides = array<i32>} : memref<4096xf32, #tpu.memory_space<vmem>>, vector<16xf32>,
        %scan3A_175 = arith.constant 4 : i32
        %scan3A_176 = arith.addi %scan3A_123, %scan3A_175 : i32
        %mul3A_177 = arith.constant 16 : i32
        %mul3A_178 = arith.muli %scan3A_176, %mul3A_177 : i32
        %get3A_179 = arith.index_cast %mul3A_178 : i32 to index
        %get3A_180 = tpu.vector_load %arg9[%get3A_179] {strides = array<i32>} : memref<4096xi32, #tpu.memory_space<vmem>>, vector<16xi32>,
        %lt3A_181 = arith.constant 49920 : i32
        %lt3A_182 = vector.broadcast %lt3A_181 : i32 to vector<16xi32>
        %lt3A_183 = arith.cmpi slt, %get3A_180, %lt3A_182 : vector<16xi32>
        %gather3A_184 = tpu.vector_load_idx %arg7[%get3A_180] masked %lt3A_183 : memref<49920xf32, #tpu.memory_space<vmem>>[vector<16xi32>], vector<16xf32>, vector<16xi1>
        %mul3A_185 = arith.constant 16 : i32
        %mul3A_186 = arith.muli %scan3A_176, %mul3A_185 : i32
        %swap3A_187 = arith.index_cast %mul3A_186 : i32 to index
        %swap3A_188 = tpu.vector_load %arg10[%swap3A_187] {strides = array<i32>} : memref<4096xf32, #tpu.memory_space<vmem>>, vector<16xf32>,
        tpu.vector_store %arg10[%swap3A_187], %gather3A_184 {strides = array<i32>} : memref<4096xf32, #tpu.memory_space<vmem>>, vector<16xf32>,
        %scan3A_189 = arith.constant 5 : i32
        %scan3A_190 = arith.addi %scan3A_123, %scan3A_189 : i32
        %mul3A_191 = arith.constant 16 : i32
        %mul3A_192 = arith.muli %scan3A_190, %mul3A_191 : i32
        %get3A_193 = arith.index_cast %mul3A_192 : i32 to index
        %get3A_194 = tpu.vector_load %arg9[%get3A_193] {strides = array<i32>} : memref<4096xi32, #tpu.memory_space<vmem>>, vector<16xi32>,
        %lt3A_195 = arith.constant 49920 : i32
        %lt3A_196 = vector.broadcast %lt3A_195 : i32 to vector<16xi32>
        %lt3A_197 = arith.cmpi slt, %get3A_194, %lt3A_196 : vector<16xi32>
        %gather3A_198 = tpu.vector_load_idx %arg7[%get3A_194] masked %lt3A_197 : memref<49920xf32, #tpu.memory_space<vmem>>[vector<16xi32>], vector<16xf32>, vector<16xi1>
        %mul3A_199 = arith.constant 16 : i32
        %mul3A_200 = arith.muli %scan3A_190, %mul3A_199 : i32
        %swap3A_201 = arith.index_cast %mul3A_200 : i32 to index
        %swap3A_202 = tpu.vector_load %arg10[%swap3A_201] {strides = array<i32>} : memref<4096xf32, #tpu.memory_space<vmem>>, vector<16xf32>,
        tpu.vector_store %arg10[%swap3A_201], %gather3A_198 {strides = array<i32>} : memref<4096xf32, #tpu.memory_space<vmem>>, vector<16xf32>,
        %scan3A_203 = arith.constant 6 : i32
        %scan3A_204 = arith.addi %scan3A_123, %scan3A_203 : i32
        %mul3A_205 = arith.constant 16 : i32
        %mul3A_206 = arith.muli %scan3A_204, %mul3A_205 : i32
        %get3A_207 = arith.index_cast %mul3A_206 : i32 to index
        %get3A_208 = tpu.vector_load %arg9[%get3A_207] {strides = array<i32>} : memref<4096xi32, #tpu.memory_space<vmem>>, vector<16xi32>,
        %lt3A_209 = arith.constant 49920 : i32
        %lt3A_210 = vector.broadcast %lt3A_209 : i32 to vector<16xi32>
        %lt3A_211 = arith.cmpi slt, %get3A_208, %lt3A_210 : vector<16xi32>
        %gather3A_212 = tpu.vector_load_idx %arg7[%get3A_208] masked %lt3A_211 : memref<49920xf32, #tpu.memory_space<vmem>>[vector<16xi32>], vector<16xf32>, vector<16xi1>
        %mul3A_213 = arith.constant 16 : i32
        %mul3A_214 = arith.muli %scan3A_204, %mul3A_213 : i32
        %swap3A_215 = arith.index_cast %mul3A_214 : i32 to index
        %swap3A_216 = tpu.vector_load %arg10[%swap3A_215] {strides = array<i32>} : memref<4096xf32, #tpu.memory_space<vmem>>, vector<16xf32>,
        tpu.vector_store %arg10[%swap3A_215], %gather3A_212 {strides = array<i32>} : memref<4096xf32, #tpu.memory_space<vmem>>, vector<16xf32>,
        %scan3A_217 = arith.constant 7 : i32
        %scan3A_218 = arith.addi %scan3A_123, %scan3A_217 : i32
        %mul3A_219 = arith.constant 16 : i32
        %mul3A_220 = arith.muli %scan3A_218, %mul3A_219 : i32
        %get3A_221 = arith.index_cast %mul3A_220 : i32 to index
        %get3A_222 = tpu.vector_load %arg9[%get3A_221] {strides = array<i32>} : memref<4096xi32, #tpu.memory_space<vmem>>, vector<16xi32>,
        %lt3A_223 = arith.constant 49920 : i32
        %lt3A_224 = vector.broadcast %lt3A_223 : i32 to vector<16xi32>
        %lt3A_225 = arith.cmpi slt, %get3A_222, %lt3A_224 : vector<16xi32>
        %gather3A_226 = tpu.vector_load_idx %arg7[%get3A_222] masked %lt3A_225 : memref<49920xf32, #tpu.memory_space<vmem>>[vector<16xi32>], vector<16xf32>, vector<16xi1>
        %mul3A_227 = arith.constant 16 : i32
        %mul3A_228 = arith.muli %scan3A_218, %mul3A_227 : i32
        %swap3A_229 = arith.index_cast %mul3A_228 : i32 to index
        %swap3A_230 = tpu.vector_load %arg10[%swap3A_229] {strides = array<i32>} : memref<4096xf32, #tpu.memory_space<vmem>>, vector<16xf32>,
        tpu.vector_store %arg10[%swap3A_229], %gather3A_226 {strides = array<i32>} : memref<4096xf32, #tpu.memory_space<vmem>>, vector<16xf32>,
      }
      %scan3A_64 = arith.constant 256 : i32
      %add3A_65 = arith.constant 1 : i32
      %add3A_66 = arith.addi %while3A_50, %add3A_65 : i32
      %lt3A_67 = arith.cmpi slt, %add3A_66, %add3A_4 : i32
      %convert_element_type3A_68 = arith.extui %lt3A_67 : i1 to i32
      %cond3A_69 = arith.constant 0 : i32
      %cond3A_70 = arith.cmpi ne, %convert_element_type3A_68, %cond3A_69 : i32
      scf.if %cond3A_70 {
        %add3A_123 = arith.constant 1 : i32
        %add3A_124 = arith.addi %while3A_50, %add3A_123 : i32
        %dma_start3A_125 = arith.constant 0 : i32
        %dma_start3A_126 = tpu.memref_slice %arg2[%add3A_124, %dma_start3A_125] : memref<416x100000xf32, #tpu.memory_space<hbm>> -> memref<1x100000xf32, #tpu.memory_space<hbm>>
        %dma_start3A_127 = tpu.memref_squeeze %dma_start3A_126 : memref<1x100000xf32, #tpu.memory_space<hbm>> -> memref<100000xf32, #tpu.memory_space<hbm>>
        %dma_start3A_128 = arith.constant 0 : i32
        %dma_start3A_129 = tpu.memref_slice %dma_start3A_127[%dma_start3A_128] : memref<100000xf32, #tpu.memory_space<hbm>> -> memref<49920xf32, #tpu.memory_space<hbm>>
        %dma_start3A_130 = arith.constant 0 : i32
        %dma_start3A_131 = tpu.memref_slice %arg2[%add3A_124, %dma_start3A_130] : memref<416x100000xf32, #tpu.memory_space<hbm>> -> memref<1x100000xf32, #tpu.memory_space<hbm>>
        %dma_start3A_132 = tpu.memref_squeeze %dma_start3A_131 : memref<1x100000xf32, #tpu.memory_space<hbm>> -> memref<100000xf32, #tpu.memory_space<hbm>>
        %dma_start3A_133 = arith.constant 0 : i32
        %dma_start3A_134 = tpu.memref_slice %dma_start3A_132[%dma_start3A_133] : memref<100000xf32, #tpu.memory_space<hbm>> -> memref<49920xf32, #tpu.memory_space<hbm>>
        tpu.enqueue_dma source(%dma_start3A_134 : memref<49920xf32, #tpu.memory_space<hbm>>) target(%arg7 : memref<49920xf32, #tpu.memory_space<vmem>>) target_semaphore(%arg11 : memref<!tpu.dma_semaphore, #tpu.memory_space<semaphore_mem>>)
      } else {
      }
      %add3A_71 = arith.constant 1 : i32
      %add3A_72 = arith.addi %while3A_50, %add3A_71 : i32
      %eq3A = arith.cmpi eq, %add3A_72, %add3A_4 : i32
      %lt3A_73 = arith.constant 26 : i32
      %lt3A_74 = arith.cmpi slt, %add3A, %lt3A_73 : i32
      %and3A_75 = arith.andi %eq3A, %lt3A_74 : i1
      %convert_element_type3A_76 = arith.extui %and3A_75 : i1 to i32
      %cond3A_77 = arith.constant 0 : i32
      %cond3A_78 = arith.cmpi ne, %convert_element_type3A_76, %cond3A_77 : i32
      scf.if %cond3A_78 {
        %dma_start3A_123 = arith.constant 0 : i32
        %dma_start3A_124 = tpu.memref_slice %arg3[%add3A, %dma_start3A_123] : memref<26x100000xf32, #tpu.memory_space<hbm>> -> memref<1x100000xf32, #tpu.memory_space<hbm>>
        %dma_start3A_125 = tpu.memref_squeeze %dma_start3A_124 : memref<1x100000xf32, #tpu.memory_space<hbm>> -> memref<100000xf32, #tpu.memory_space<hbm>>
        %dma_start3A_126 = arith.constant 0 : i32
        %dma_start3A_127 = tpu.memref_slice %dma_start3A_125[%dma_start3A_126] : memref<100000xf32, #tpu.memory_space<hbm>> -> memref<49920xf32, #tpu.memory_space<hbm>>
        %dma_start3A_128 = arith.constant 0 : i32
        %dma_start3A_129 = tpu.memref_slice %arg3[%add3A, %dma_start3A_128] : memref<26x100000xf32, #tpu.memory_space<hbm>> -> memref<1x100000xf32, #tpu.memory_space<hbm>>
        %dma_start3A_130 = tpu.memref_squeeze %dma_start3A_129 : memref<1x100000xf32, #tpu.memory_space<hbm>> -> memref<100000xf32, #tpu.memory_space<hbm>>
        %dma_start3A_131 = arith.constant 0 : i32
        %dma_start3A_132 = tpu.memref_slice %dma_start3A_130[%dma_start3A_131] : memref<100000xf32, #tpu.memory_space<hbm>> -> memref<49920xf32, #tpu.memory_space<hbm>>
        tpu.enqueue_dma source(%dma_start3A_132 : memref<49920xf32, #tpu.memory_space<hbm>>) target(%arg7 : memref<49920xf32, #tpu.memory_space<vmem>>) target_semaphore(%arg11 : memref<!tpu.dma_semaphore, #tpu.memory_space<semaphore_mem>>)
      } else {
      }
      %dma_wait3A_79 = arith.constant 0 : i32
      %dma_wait3A_80 = tpu.memref_slice %arg2[%while3A_50, %dma_wait3A_79] : memref<416x100000xf32, #tpu.memory_space<hbm>> -> memref<1x100000xf32, #tpu.memory_space<hbm>>
      %dma_wait3A_81 = tpu.memref_squeeze %dma_wait3A_80 : memref<1x100000xf32, #tpu.memory_space<hbm>> -> memref<100000xf32, #tpu.memory_space<hbm>>
      %dma_wait3A_82 = arith.constant 49920 : i32
      %dma_wait3A_83 = tpu.memref_slice %dma_wait3A_81[%dma_wait3A_82] : memref<100000xf32, #tpu.memory_space<hbm>> -> memref<50080xf32, #tpu.memory_space<hbm>>
      %dma_wait3A_84 = arith.constant 0 : i32
      %dma_wait3A_85 = tpu.memref_slice %arg2[%while3A_50, %dma_wait3A_84] : memref<416x100000xf32, #tpu.memory_space<hbm>> -> memref<1x100000xf32, #tpu.memory_space<hbm>>
      %dma_wait3A_86 = tpu.memref_squeeze %dma_wait3A_85 : memref<1x100000xf32, #tpu.memory_space<hbm>> -> memref<100000xf32, #tpu.memory_space<hbm>>
      %dma_wait3A_87 = arith.constant 49920 : i32
      %dma_wait3A_88 = tpu.memref_slice %dma_wait3A_86[%dma_wait3A_87] : memref<100000xf32, #tpu.memory_space<hbm>> -> memref<50080xf32, #tpu.memory_space<hbm>>
      tpu.wait_dma2 semaphore(%arg12 : memref<!tpu.dma_semaphore, #tpu.memory_space<semaphore_mem>>) src(%dma_wait3A_88 : memref<50080xf32, #tpu.memory_space<hbm>>) dst(%arg8 : memref<50080xf32, #tpu.memory_space<vmem>>)
      %scan3A_89 = arith.constant 0 : i32
      %scan3A_90 = arith.constant 0 : i32
      %scan3A_91 = arith.constant 256 : i32
      %scan3A_92 = arith.addi %scan3A_90, %scan3A_91 : i32
      %scan3A_93 = arith.constant 8 : i32
      scf.for %scan3A_123 = %scan3A_90 to %scan3A_92 step %scan3A_93  : i32 {
        %mul3A_124 = arith.constant 16 : i32
        %mul3A_125 = arith.muli %scan3A_123, %mul3A_124 : i32
        %get3A = arith.index_cast %mul3A_125 : i32 to index
        %get3A_126 = tpu.vector_load %arg9[%get3A] {strides = array<i32>} : memref<4096xi32, #tpu.memory_space<vmem>>, vector<16xi32>,
        %ge3A = arith.constant 49920 : i32
        %ge3A_127 = vector.broadcast %ge3A : i32 to vector<16xi32>
        %ge3A_128 = arith.cmpi sge, %get3A_126, %ge3A_127 : vector<16xi32>
        %sub3A_129 = arith.constant 49920 : i32
        %sub3A_130 = vector.broadcast %sub3A_129 : i32 to vector<16xi32>
        %sub3A_131 = arith.subi %get3A_126, %sub3A_130 : vector<16xi32>
        %gather3A = tpu.vector_load_idx %arg8[%sub3A_131] masked %ge3A_128 : memref<50080xf32, #tpu.memory_space<vmem>>[vector<16xi32>], vector<16xf32>, vector<16xi1>
        %mul3A_132 = arith.constant 16 : i32
        %mul3A_133 = arith.muli %scan3A_123, %mul3A_132 : i32
        %get3A_134 = arith.index_cast %mul3A_133 : i32 to index
        %get3A_135 = tpu.vector_load %arg10[%get3A_134] {strides = array<i32>} : memref<4096xf32, #tpu.memory_space<vmem>>, vector<16xf32>,
        %select_n3A_136 = arith.select %ge3A_128, %gather3A, %get3A_135 : vector<16xi1>, vector<16xf32>
        %mul3A_137 = arith.constant 16 : i32
        %mul3A_138 = arith.muli %scan3A_123, %mul3A_137 : i32
        %swap3A = arith.index_cast %mul3A_138 : i32 to index
        %swap3A_139 = tpu.vector_load %arg10[%swap3A] {strides = array<i32>} : memref<4096xf32, #tpu.memory_space<vmem>>, vector<16xf32>,
        tpu.vector_store %arg10[%swap3A], %select_n3A_136 {strides = array<i32>} : memref<4096xf32, #tpu.memory_space<vmem>>, vector<16xf32>,
        %scan3A_140 = arith.constant 1 : i32
        %scan3A_141 = arith.addi %scan3A_123, %scan3A_140 : i32
        %mul3A_142 = arith.constant 16 : i32
        %mul3A_143 = arith.muli %scan3A_141, %mul3A_142 : i32
        %get3A_144 = arith.index_cast %mul3A_143 : i32 to index
        %get3A_145 = tpu.vector_load %arg9[%get3A_144] {strides = array<i32>} : memref<4096xi32, #tpu.memory_space<vmem>>, vector<16xi32>,
        %ge3A_146 = arith.constant 49920 : i32
        %ge3A_147 = vector.broadcast %ge3A_146 : i32 to vector<16xi32>
        %ge3A_148 = arith.cmpi sge, %get3A_145, %ge3A_147 : vector<16xi32>
        %sub3A_149 = arith.constant 49920 : i32
        %sub3A_150 = vector.broadcast %sub3A_149 : i32 to vector<16xi32>
        %sub3A_151 = arith.subi %get3A_145, %sub3A_150 : vector<16xi32>
        %gather3A_152 = tpu.vector_load_idx %arg8[%sub3A_151] masked %ge3A_148 : memref<50080xf32, #tpu.memory_space<vmem>>[vector<16xi32>], vector<16xf32>, vector<16xi1>
        %mul3A_153 = arith.constant 16 : i32
        %mul3A_154 = arith.muli %scan3A_141, %mul3A_153 : i32
        %get3A_155 = arith.index_cast %mul3A_154 : i32 to index
        %get3A_156 = tpu.vector_load %arg10[%get3A_155] {strides = array<i32>} : memref<4096xf32, #tpu.memory_space<vmem>>, vector<16xf32>,
        %select_n3A_157 = arith.select %ge3A_148, %gather3A_152, %get3A_156 : vector<16xi1>, vector<16xf32>
        %mul3A_158 = arith.constant 16 : i32
        %mul3A_159 = arith.muli %scan3A_141, %mul3A_158 : i32
        %swap3A_160 = arith.index_cast %mul3A_159 : i32 to index
        %swap3A_161 = tpu.vector_load %arg10[%swap3A_160] {strides = array<i32>} : memref<4096xf32, #tpu.memory_space<vmem>>, vector<16xf32>,
        tpu.vector_store %arg10[%swap3A_160], %select_n3A_157 {strides = array<i32>} : memref<4096xf32, #tpu.memory_space<vmem>>, vector<16xf32>,
        %scan3A_162 = arith.constant 2 : i32
        %scan3A_163 = arith.addi %scan3A_123, %scan3A_162 : i32
        %mul3A_164 = arith.constant 16 : i32
        %mul3A_165 = arith.muli %scan3A_163, %mul3A_164 : i32
        %get3A_166 = arith.index_cast %mul3A_165 : i32 to index
        %get3A_167 = tpu.vector_load %arg9[%get3A_166] {strides = array<i32>} : memref<4096xi32, #tpu.memory_space<vmem>>, vector<16xi32>,
        %ge3A_168 = arith.constant 49920 : i32
        %ge3A_169 = vector.broadcast %ge3A_168 : i32 to vector<16xi32>
        %ge3A_170 = arith.cmpi sge, %get3A_167, %ge3A_169 : vector<16xi32>
        %sub3A_171 = arith.constant 49920 : i32
        %sub3A_172 = vector.broadcast %sub3A_171 : i32 to vector<16xi32>
        %sub3A_173 = arith.subi %get3A_167, %sub3A_172 : vector<16xi32>
        %gather3A_174 = tpu.vector_load_idx %arg8[%sub3A_173] masked %ge3A_170 : memref<50080xf32, #tpu.memory_space<vmem>>[vector<16xi32>], vector<16xf32>, vector<16xi1>
        %mul3A_175 = arith.constant 16 : i32
        %mul3A_176 = arith.muli %scan3A_163, %mul3A_175 : i32
        %get3A_177 = arith.index_cast %mul3A_176 : i32 to index
        %get3A_178 = tpu.vector_load %arg10[%get3A_177] {strides = array<i32>} : memref<4096xf32, #tpu.memory_space<vmem>>, vector<16xf32>,
        %select_n3A_179 = arith.select %ge3A_170, %gather3A_174, %get3A_178 : vector<16xi1>, vector<16xf32>
        %mul3A_180 = arith.constant 16 : i32
        %mul3A_181 = arith.muli %scan3A_163, %mul3A_180 : i32
        %swap3A_182 = arith.index_cast %mul3A_181 : i32 to index
        %swap3A_183 = tpu.vector_load %arg10[%swap3A_182] {strides = array<i32>} : memref<4096xf32, #tpu.memory_space<vmem>>, vector<16xf32>,
        tpu.vector_store %arg10[%swap3A_182], %select_n3A_179 {strides = array<i32>} : memref<4096xf32, #tpu.memory_space<vmem>>, vector<16xf32>,
        %scan3A_184 = arith.constant 3 : i32
        %scan3A_185 = arith.addi %scan3A_123, %scan3A_184 : i32
        %mul3A_186 = arith.constant 16 : i32
        %mul3A_187 = arith.muli %scan3A_185, %mul3A_186 : i32
        %get3A_188 = arith.index_cast %mul3A_187 : i32 to index
        %get3A_189 = tpu.vector_load %arg9[%get3A_188] {strides = array<i32>} : memref<4096xi32, #tpu.memory_space<vmem>>, vector<16xi32>,
        %ge3A_190 = arith.constant 49920 : i32
        %ge3A_191 = vector.broadcast %ge3A_190 : i32 to vector<16xi32>
        %ge3A_192 = arith.cmpi sge, %get3A_189, %ge3A_191 : vector<16xi32>
        %sub3A_193 = arith.constant 49920 : i32
        %sub3A_194 = vector.broadcast %sub3A_193 : i32 to vector<16xi32>
        %sub3A_195 = arith.subi %get3A_189, %sub3A_194 : vector<16xi32>
        %gather3A_196 = tpu.vector_load_idx %arg8[%sub3A_195] masked %ge3A_192 : memref<50080xf32, #tpu.memory_space<vmem>>[vector<16xi32>], vector<16xf32>, vector<16xi1>
        %mul3A_197 = arith.constant 16 : i32
        %mul3A_198 = arith.muli %scan3A_185, %mul3A_197 : i32
        %get3A_199 = arith.index_cast %mul3A_198 : i32 to index
        %get3A_200 = tpu.vector_load %arg10[%get3A_199] {strides = array<i32>} : memref<4096xf32, #tpu.memory_space<vmem>>, vector<16xf32>,
        %select_n3A_201 = arith.select %ge3A_192, %gather3A_196, %get3A_200 : vector<16xi1>, vector<16xf32>
        %mul3A_202 = arith.constant 16 : i32
        %mul3A_203 = arith.muli %scan3A_185, %mul3A_202 : i32
        %swap3A_204 = arith.index_cast %mul3A_203 : i32 to index
        %swap3A_205 = tpu.vector_load %arg10[%swap3A_204] {strides = array<i32>} : memref<4096xf32, #tpu.memory_space<vmem>>, vector<16xf32>,
        tpu.vector_store %arg10[%swap3A_204], %select_n3A_201 {strides = array<i32>} : memref<4096xf32, #tpu.memory_space<vmem>>, vector<16xf32>,
        %scan3A_206 = arith.constant 4 : i32
        %scan3A_207 = arith.addi %scan3A_123, %scan3A_206 : i32
        %mul3A_208 = arith.constant 16 : i32
        %mul3A_209 = arith.muli %scan3A_207, %mul3A_208 : i32
        %get3A_210 = arith.index_cast %mul3A_209 : i32 to index
        %get3A_211 = tpu.vector_load %arg9[%get3A_210] {strides = array<i32>} : memref<4096xi32, #tpu.memory_space<vmem>>, vector<16xi32>,
        %ge3A_212 = arith.constant 49920 : i32
        %ge3A_213 = vector.broadcast %ge3A_212 : i32 to vector<16xi32>
        %ge3A_214 = arith.cmpi sge, %get3A_211, %ge3A_213 : vector<16xi32>
        %sub3A_215 = arith.constant 49920 : i32
        %sub3A_216 = vector.broadcast %sub3A_215 : i32 to vector<16xi32>
        %sub3A_217 = arith.subi %get3A_211, %sub3A_216 : vector<16xi32>
        %gather3A_218 = tpu.vector_load_idx %arg8[%sub3A_217] masked %ge3A_214 : memref<50080xf32, #tpu.memory_space<vmem>>[vector<16xi32>], vector<16xf32>, vector<16xi1>
        %mul3A_219 = arith.constant 16 : i32
        %mul3A_220 = arith.muli %scan3A_207, %mul3A_219 : i32
        %get3A_221 = arith.index_cast %mul3A_220 : i32 to index
        %get3A_222 = tpu.vector_load %arg10[%get3A_221] {strides = array<i32>} : memref<4096xf32, #tpu.memory_space<vmem>>, vector<16xf32>,
        %select_n3A_223 = arith.select %ge3A_214, %gather3A_218, %get3A_222 : vector<16xi1>, vector<16xf32>
        %mul3A_224 = arith.constant 16 : i32
        %mul3A_225 = arith.muli %scan3A_207, %mul3A_224 : i32
        %swap3A_226 = arith.index_cast %mul3A_225 : i32 to index
        %swap3A_227 = tpu.vector_load %arg10[%swap3A_226] {strides = array<i32>} : memref<4096xf32, #tpu.memory_space<vmem>>, vector<16xf32>,
        tpu.vector_store %arg10[%swap3A_226], %select_n3A_223 {strides = array<i32>} : memref<4096xf32, #tpu.memory_space<vmem>>, vector<16xf32>,
        %scan3A_228 = arith.constant 5 : i32
        %scan3A_229 = arith.addi %scan3A_123, %scan3A_228 : i32
        %mul3A_230 = arith.constant 16 : i32
        %mul3A_231 = arith.muli %scan3A_229, %mul3A_230 : i32
        %get3A_232 = arith.index_cast %mul3A_231 : i32 to index
        %get3A_233 = tpu.vector_load %arg9[%get3A_232] {strides = array<i32>} : memref<4096xi32, #tpu.memory_space<vmem>>, vector<16xi32>,
        %ge3A_234 = arith.constant 49920 : i32
        %ge3A_235 = vector.broadcast %ge3A_234 : i32 to vector<16xi32>
        %ge3A_236 = arith.cmpi sge, %get3A_233, %ge3A_235 : vector<16xi32>
        %sub3A_237 = arith.constant 49920 : i32
        %sub3A_238 = vector.broadcast %sub3A_237 : i32 to vector<16xi32>
        %sub3A_239 = arith.subi %get3A_233, %sub3A_238 : vector<16xi32>
        %gather3A_240 = tpu.vector_load_idx %arg8[%sub3A_239] masked %ge3A_236 : memref<50080xf32, #tpu.memory_space<vmem>>[vector<16xi32>], vector<16xf32>, vector<16xi1>
        %mul3A_241 = arith.constant 16 : i32
        %mul3A_242 = arith.muli %scan3A_229, %mul3A_241 : i32
        %get3A_243 = arith.index_cast %mul3A_242 : i32 to index
        %get3A_244 = tpu.vector_load %arg10[%get3A_243] {strides = array<i32>} : memref<4096xf32, #tpu.memory_space<vmem>>, vector<16xf32>,
        %select_n3A_245 = arith.select %ge3A_236, %gather3A_240, %get3A_244 : vector<16xi1>, vector<16xf32>
        %mul3A_246 = arith.constant 16 : i32
        %mul3A_247 = arith.muli %scan3A_229, %mul3A_246 : i32
        %swap3A_248 = arith.index_cast %mul3A_247 : i32 to index
        %swap3A_249 = tpu.vector_load %arg10[%swap3A_248] {strides = array<i32>} : memref<4096xf32, #tpu.memory_space<vmem>>, vector<16xf32>,
        tpu.vector_store %arg10[%swap3A_248], %select_n3A_245 {strides = array<i32>} : memref<4096xf32, #tpu.memory_space<vmem>>, vector<16xf32>,
        %scan3A_250 = arith.constant 6 : i32
        %scan3A_251 = arith.addi %scan3A_123, %scan3A_250 : i32
        %mul3A_252 = arith.constant 16 : i32
        %mul3A_253 = arith.muli %scan3A_251, %mul3A_252 : i32
        %get3A_254 = arith.index_cast %mul3A_253 : i32 to index
        %get3A_255 = tpu.vector_load %arg9[%get3A_254] {strides = array<i32>} : memref<4096xi32, #tpu.memory_space<vmem>>, vector<16xi32>,
        %ge3A_256 = arith.constant 49920 : i32
        %ge3A_257 = vector.broadcast %ge3A_256 : i32 to vector<16xi32>
        %ge3A_258 = arith.cmpi sge, %get3A_255, %ge3A_257 : vector<16xi32>
        %sub3A_259 = arith.constant 49920 : i32
        %sub3A_260 = vector.broadcast %sub3A_259 : i32 to vector<16xi32>
        %sub3A_261 = arith.subi %get3A_255, %sub3A_260 : vector<16xi32>
        %gather3A_262 = tpu.vector_load_idx %arg8[%sub3A_261] masked %ge3A_258 : memref<50080xf32, #tpu.memory_space<vmem>>[vector<16xi32>], vector<16xf32>, vector<16xi1>
        %mul3A_263 = arith.constant 16 : i32
        %mul3A_264 = arith.muli %scan3A_251, %mul3A_263 : i32
        %get3A_265 = arith.index_cast %mul3A_264 : i32 to index
        %get3A_266 = tpu.vector_load %arg10[%get3A_265] {strides = array<i32>} : memref<4096xf32, #tpu.memory_space<vmem>>, vector<16xf32>,
        %select_n3A_267 = arith.select %ge3A_258, %gather3A_262, %get3A_266 : vector<16xi1>, vector<16xf32>
        %mul3A_268 = arith.constant 16 : i32
        %mul3A_269 = arith.muli %scan3A_251, %mul3A_268 : i32
        %swap3A_270 = arith.index_cast %mul3A_269 : i32 to index
        %swap3A_271 = tpu.vector_load %arg10[%swap3A_270] {strides = array<i32>} : memref<4096xf32, #tpu.memory_space<vmem>>, vector<16xf32>,
        tpu.vector_store %arg10[%swap3A_270], %select_n3A_267 {strides = array<i32>} : memref<4096xf32, #tpu.memory_space<vmem>>, vector<16xf32>,
        %scan3A_272 = arith.constant 7 : i32
        %scan3A_273 = arith.addi %scan3A_123, %scan3A_272 : i32
        %mul3A_274 = arith.constant 16 : i32
        %mul3A_275 = arith.muli %scan3A_273, %mul3A_274 : i32
        %get3A_276 = arith.index_cast %mul3A_275 : i32 to index
        %get3A_277 = tpu.vector_load %arg9[%get3A_276] {strides = array<i32>} : memref<4096xi32, #tpu.memory_space<vmem>>, vector<16xi32>,
        %ge3A_278 = arith.constant 49920 : i32
        %ge3A_279 = vector.broadcast %ge3A_278 : i32 to vector<16xi32>
        %ge3A_280 = arith.cmpi sge, %get3A_277, %ge3A_279 : vector<16xi32>
        %sub3A_281 = arith.constant 49920 : i32
        %sub3A_282 = vector.broadcast %sub3A_281 : i32 to vector<16xi32>
        %sub3A_283 = arith.subi %get3A_277, %sub3A_282 : vector<16xi32>
        %gather3A_284 = tpu.vector_load_idx %arg8[%sub3A_283] masked %ge3A_280 : memref<50080xf32, #tpu.memory_space<vmem>>[vector<16xi32>], vector<16xf32>, vector<16xi1>
        %mul3A_285 = arith.constant 16 : i32
        %mul3A_286 = arith.muli %scan3A_273, %mul3A_285 : i32
        %get3A_287 = arith.index_cast %mul3A_286 : i32 to index
        %get3A_288 = tpu.vector_load %arg10[%get3A_287] {strides = array<i32>} : memref<4096xf32, #tpu.memory_space<vmem>>, vector<16xf32>,
        %select_n3A_289 = arith.select %ge3A_280, %gather3A_284, %get3A_288 : vector<16xi1>, vector<16xf32>
        %mul3A_290 = arith.constant 16 : i32
        %mul3A_291 = arith.muli %scan3A_273, %mul3A_290 : i32
        %swap3A_292 = arith.index_cast %mul3A_291 : i32 to index
        %swap3A_293 = tpu.vector_load %arg10[%swap3A_292] {strides = array<i32>} : memref<4096xf32, #tpu.memory_space<vmem>>, vector<16xf32>,
        tpu.vector_store %arg10[%swap3A_292], %select_n3A_289 {strides = array<i32>} : memref<4096xf32, #tpu.memory_space<vmem>>, vector<16xf32>,
      }
      %scan3A_94 = arith.constant 256 : i32
      %add3A_95 = arith.constant 1 : i32
      %add3A_96 = arith.addi %while3A_50, %add3A_95 : i32
      %lt3A_97 = arith.cmpi slt, %add3A_96, %add3A_4 : i32
      %convert_element_type3A_98 = arith.extui %lt3A_97 : i1 to i32
      %cond3A_99 = arith.constant 0 : i32
      %cond3A_100 = arith.cmpi ne, %convert_element_type3A_98, %cond3A_99 : i32
      scf.if %cond3A_100 {
        %add3A_123 = arith.constant 1 : i32
        %add3A_124 = arith.addi %while3A_50, %add3A_123 : i32
        %dma_start3A_125 = arith.constant 0 : i32
        %dma_start3A_126 = tpu.memref_slice %arg2[%add3A_124, %dma_start3A_125] : memref<416x100000xf32, #tpu.memory_space<hbm>> -> memref<1x100000xf32, #tpu.memory_space<hbm>>
        %dma_start3A_127 = tpu.memref_squeeze %dma_start3A_126 : memref<1x100000xf32, #tpu.memory_space<hbm>> -> memref<100000xf32, #tpu.memory_space<hbm>>
        %dma_start3A_128 = arith.constant 49920 : i32
        %dma_start3A_129 = tpu.memref_slice %dma_start3A_127[%dma_start3A_128] : memref<100000xf32, #tpu.memory_space<hbm>> -> memref<50080xf32, #tpu.memory_space<hbm>>
        %dma_start3A_130 = arith.constant 0 : i32
        %dma_start3A_131 = tpu.memref_slice %arg2[%add3A_124, %dma_start3A_130] : memref<416x100000xf32, #tpu.memory_space<hbm>> -> memref<1x100000xf32, #tpu.memory_space<hbm>>
        %dma_start3A_132 = tpu.memref_squeeze %dma_start3A_131 : memref<1x100000xf32, #tpu.memory_space<hbm>> -> memref<100000xf32, #tpu.memory_space<hbm>>
        %dma_start3A_133 = arith.constant 49920 : i32
        %dma_start3A_134 = tpu.memref_slice %dma_start3A_132[%dma_start3A_133] : memref<100000xf32, #tpu.memory_space<hbm>> -> memref<50080xf32, #tpu.memory_space<hbm>>
        tpu.enqueue_dma source(%dma_start3A_134 : memref<50080xf32, #tpu.memory_space<hbm>>) target(%arg8 : memref<50080xf32, #tpu.memory_space<vmem>>) target_semaphore(%arg12 : memref<!tpu.dma_semaphore, #tpu.memory_space<semaphore_mem>>)
      } else {
      }
      %add3A_101 = arith.constant 1 : i32
      %add3A_102 = arith.addi %while3A_50, %add3A_101 : i32
      %eq3A_103 = arith.cmpi eq, %add3A_102, %add3A_4 : i32
      %lt3A_104 = arith.constant 26 : i32
      %lt3A_105 = arith.cmpi slt, %add3A, %lt3A_104 : i32
      %and3A_106 = arith.andi %eq3A_103, %lt3A_105 : i1
      %convert_element_type3A_107 = arith.extui %and3A_106 : i1 to i32
      %cond3A_108 = arith.constant 0 : i32
      %cond3A_109 = arith.cmpi ne, %convert_element_type3A_107, %cond3A_108 : i32
      scf.if %cond3A_109 {
        %dma_start3A_123 = arith.constant 0 : i32
        %dma_start3A_124 = tpu.memref_slice %arg3[%add3A, %dma_start3A_123] : memref<26x100000xf32, #tpu.memory_space<hbm>> -> memref<1x100000xf32, #tpu.memory_space<hbm>>
        %dma_start3A_125 = tpu.memref_squeeze %dma_start3A_124 : memref<1x100000xf32, #tpu.memory_space<hbm>> -> memref<100000xf32, #tpu.memory_space<hbm>>
        %dma_start3A_126 = arith.constant 49920 : i32
        %dma_start3A_127 = tpu.memref_slice %dma_start3A_125[%dma_start3A_126] : memref<100000xf32, #tpu.memory_space<hbm>> -> memref<50080xf32, #tpu.memory_space<hbm>>
        %dma_start3A_128 = arith.constant 0 : i32
        %dma_start3A_129 = tpu.memref_slice %arg3[%add3A, %dma_start3A_128] : memref<26x100000xf32, #tpu.memory_space<hbm>> -> memref<1x100000xf32, #tpu.memory_space<hbm>>
        %dma_start3A_130 = tpu.memref_squeeze %dma_start3A_129 : memref<1x100000xf32, #tpu.memory_space<hbm>> -> memref<100000xf32, #tpu.memory_space<hbm>>
        %dma_start3A_131 = arith.constant 49920 : i32
        %dma_start3A_132 = tpu.memref_slice %dma_start3A_130[%dma_start3A_131] : memref<100000xf32, #tpu.memory_space<hbm>> -> memref<50080xf32, #tpu.memory_space<hbm>>
        tpu.enqueue_dma source(%dma_start3A_132 : memref<50080xf32, #tpu.memory_space<hbm>>) target(%arg8 : memref<50080xf32, #tpu.memory_space<vmem>>) target_semaphore(%arg12 : memref<!tpu.dma_semaphore, #tpu.memory_space<semaphore_mem>>)
      } else {
      }
      "tpu.region"() ({
        %run_scoped3A = tpu.sem_alloc : memref<!tpu.dma_semaphore, #tpu.memory_space<semaphore_mem>>
        %dma_start3A_123 = arith.constant 0 : i32
        %dma_start3A_124 = tpu.memref_slice %arg5[%while3A_50, %dma_start3A_123] : memref<416x4096xf32, #tpu.memory_space<hbm>> -> memref<1x4096xf32, #tpu.memory_space<hbm>>
        %dma_start3A_125 = tpu.memref_squeeze %dma_start3A_124 : memref<1x4096xf32, #tpu.memory_space<hbm>> -> memref<4096xf32, #tpu.memory_space<hbm>>
        %dma_start3A_126 = arith.constant 0 : i32
        %dma_start3A_127 = tpu.memref_slice %arg5[%while3A_50, %dma_start3A_126] : memref<416x4096xf32, #tpu.memory_space<hbm>> -> memref<1x4096xf32, #tpu.memory_space<hbm>>
        %dma_start3A_128 = tpu.memref_squeeze %dma_start3A_127 : memref<1x4096xf32, #tpu.memory_space<hbm>> -> memref<4096xf32, #tpu.memory_space<hbm>>
        tpu.enqueue_dma source(%arg10 : memref<4096xf32, #tpu.memory_space<vmem>>) target(%dma_start3A_128 : memref<4096xf32, #tpu.memory_space<hbm>>) target_semaphore(%run_scoped3A : memref<!tpu.dma_semaphore, #tpu.memory_space<semaphore_mem>>)
        %dma_wait3A_129 = arith.constant 0 : i32
        %dma_wait3A_130 = tpu.memref_slice %arg5[%while3A_50, %dma_wait3A_129] : memref<416x4096xf32, #tpu.memory_space<hbm>> -> memref<1x4096xf32, #tpu.memory_space<hbm>>
        %dma_wait3A_131 = tpu.memref_squeeze %dma_wait3A_130 : memref<1x4096xf32, #tpu.memory_space<hbm>> -> memref<4096xf32, #tpu.memory_space<hbm>>
        %dma_wait3A_132 = arith.constant 0 : i32
        %dma_wait3A_133 = tpu.memref_slice %arg5[%while3A_50, %dma_wait3A_132] : memref<416x4096xf32, #tpu.memory_space<hbm>> -> memref<1x4096xf32, #tpu.memory_space<hbm>>
        %dma_wait3A_134 = tpu.memref_squeeze %dma_wait3A_133 : memref<1x4096xf32, #tpu.memory_space<hbm>> -> memref<4096xf32, #tpu.memory_space<hbm>>
        tpu.wait_dma2 semaphore(%run_scoped3A : memref<!tpu.dma_semaphore, #tpu.memory_space<semaphore_mem>>) src(%arg10 : memref<4096xf32, #tpu.memory_space<vmem>>) dst(%dma_wait3A_134 : memref<4096xf32, #tpu.memory_space<hbm>>)
        tpu.yield
      }) : () -> ()
      %add3A_110 = arith.constant 1 : i32
      %add3A_111 = arith.addi %while3A_50, %add3A_110 : i32
      %lt3A_112 = arith.cmpi slt, %add3A_111, %add3A_4 : i32
      %add3A_113 = arith.constant 1 : i32
      %add3A_114 = arith.addi %while3A_50, %add3A_113 : i32
      %rem3A_115 = arith.constant 16 : i32
      %rem3A_116 = arith.remsi %add3A_114, %rem3A_115 : i32
      %eq3A_117 = arith.constant 0 : i32
      %eq3A_118 = arith.cmpi eq, %rem3A_116, %eq3A_117 : i32
      %and3A_119 = arith.andi %lt3A_112, %eq3A_118 : i1
      %convert_element_type3A_120 = arith.extui %and3A_119 : i1 to i32
      %cond3A_121 = arith.constant 0 : i32
      %cond3A_122 = arith.cmpi ne, %convert_element_type3A_120, %cond3A_121 : i32
      scf.if %cond3A_122 {
        %add3A_123 = arith.constant 1 : i32
        %add3A_124 = arith.addi %while3A_50, %add3A_123 : i32
        %jit3A_125 = arith.constant 16 : i32
        %div3A_126 = arith.divsi %add3A_124, %jit3A_125 : i32
        %sign3A_127 = arith.constant 0 : i32
        %sign3A_128 = arith.cmpi sgt, %add3A_124, %sign3A_127 : i32
        %sign3A_129 = arith.extui %sign3A_128 : i1 to i32
        %sign3A_130 = arith.constant 0 : i32
        %sign3A_131 = arith.cmpi slt, %add3A_124, %sign3A_130 : i32
        %sign3A_132 = arith.extui %sign3A_131 : i1 to i32
        %sign3A_133 = arith.subi %sign3A_129, %sign3A_132 : i32
        %sign3A_134 = arith.constant 0 : i32
        %sign3A_135 = arith.cmpi sgt, %jit3A_125, %sign3A_134 : i32
        %sign3A_136 = arith.extui %sign3A_135 : i1 to i32
        %sign3A_137 = arith.constant 0 : i32
        %sign3A_138 = arith.cmpi slt, %jit3A_125, %sign3A_137 : i32
        %sign3A_139 = arith.extui %sign3A_138 : i1 to i32
        %sign3A_140 = arith.subi %sign3A_136, %sign3A_139 : i32
        %ne3A_141 = arith.cmpi ne, %sign3A_133, %sign3A_140 : i32
        %rem3A_142 = arith.remsi %add3A_124, %jit3A_125 : i32
        %ne3A_143 = arith.constant 0 : i32
        %ne3A_144 = arith.cmpi ne, %rem3A_142, %ne3A_143 : i32
        %and3A_145 = arith.andi %ne3A_141, %ne3A_144 : i1
        %sub3A_146 = arith.constant 1 : i32
        %sub3A_147 = arith.subi %div3A_126, %sub3A_146 : i32
        %select_n3A_148 = arith.select %and3A_145, %sub3A_147, %div3A_126 : i32
        "tpu.region"() ({
          %run_scoped3A = tpu.sem_alloc : memref<!tpu.dma_semaphore, #tpu.memory_space<semaphore_mem>>
          %dma_start3A_149 = arith.constant 0 : i32
          %dma_start3A_150 = tpu.memref_slice %arg4[%select_n3A_148, %dma_start3A_149] : memref<26x4096xi32, #tpu.memory_space<hbm>> -> memref<1x4096xi32, #tpu.memory_space<hbm>>
          %dma_start3A_151 = tpu.memref_squeeze %dma_start3A_150 : memref<1x4096xi32, #tpu.memory_space<hbm>> -> memref<4096xi32, #tpu.memory_space<hbm>>
          %dma_start3A_152 = arith.constant 0 : i32
          %dma_start3A_153 = tpu.memref_slice %arg4[%select_n3A_148, %dma_start3A_152] : memref<26x4096xi32, #tpu.memory_space<hbm>> -> memref<1x4096xi32, #tpu.memory_space<hbm>>
          %dma_start3A_154 = tpu.memref_squeeze %dma_start3A_153 : memref<1x4096xi32, #tpu.memory_space<hbm>> -> memref<4096xi32, #tpu.memory_space<hbm>>
          tpu.enqueue_dma source(%dma_start3A_154 : memref<4096xi32, #tpu.memory_space<hbm>>) target(%arg9 : memref<4096xi32, #tpu.memory_space<vmem>>) target_semaphore(%run_scoped3A : memref<!tpu.dma_semaphore, #tpu.memory_space<semaphore_mem>>)
          %dma_wait3A_155 = arith.constant 0 : i32
          %dma_wait3A_156 = tpu.memref_slice %arg4[%select_n3A_148, %dma_wait3A_155] : memref<26x4096xi32, #tpu.memory_space<hbm>> -> memref<1x4096xi32, #tpu.memory_space<hbm>>
          %dma_wait3A_157 = tpu.memref_squeeze %dma_wait3A_156 : memref<1x4096xi32, #tpu.memory_space<hbm>> -> memref<4096xi32, #tpu.memory_space<hbm>>
          %dma_wait3A_158 = arith.constant 0 : i32
          %dma_wait3A_159 = tpu.memref_slice %arg4[%select_n3A_148, %dma_wait3A_158] : memref<26x4096xi32, #tpu.memory_space<hbm>> -> memref<1x4096xi32, #tpu.memory_space<hbm>>
          %dma_wait3A_160 = tpu.memref_squeeze %dma_wait3A_159 : memref<1x4096xi32, #tpu.memory_space<hbm>> -> memref<4096xi32, #tpu.memory_space<hbm>>
          tpu.wait_dma2 semaphore(%run_scoped3A : memref<!tpu.dma_semaphore, #tpu.memory_space<semaphore_mem>>) src(%dma_wait3A_160 : memref<4096xi32, #tpu.memory_space<hbm>>) dst(%arg9 : memref<4096xi32, #tpu.memory_space<vmem>>)
          tpu.yield
        }) : () -> ()
      } else {
      }
    }
    %lt3A = arith.constant 26 : i32
    %lt3A_48 = arith.cmpi slt, %add3A, %lt3A : i32
    %convert_element_type3A = arith.extui %lt3A_48 : i1 to i32
    %cond3A = arith.constant 0 : i32
    %cond3A_49 = arith.cmpi ne, %convert_element_type3A, %cond3A : i32
    scf.if %cond3A_49 {
      "tpu.region"() ({
        %run_scoped3A = tpu.sem_alloc : memref<!tpu.dma_semaphore, #tpu.memory_space<semaphore_mem>>
        %dma_start3A_80 = arith.constant 0 : i32
        %dma_start3A_81 = tpu.memref_slice %arg4[%add3A, %dma_start3A_80] : memref<26x4096xi32, #tpu.memory_space<hbm>> -> memref<1x4096xi32, #tpu.memory_space<hbm>>
        %dma_start3A_82 = tpu.memref_squeeze %dma_start3A_81 : memref<1x4096xi32, #tpu.memory_space<hbm>> -> memref<4096xi32, #tpu.memory_space<hbm>>
        %dma_start3A_83 = arith.constant 0 : i32
        %dma_start3A_84 = tpu.memref_slice %arg4[%add3A, %dma_start3A_83] : memref<26x4096xi32, #tpu.memory_space<hbm>> -> memref<1x4096xi32, #tpu.memory_space<hbm>>
        %dma_start3A_85 = tpu.memref_squeeze %dma_start3A_84 : memref<1x4096xi32, #tpu.memory_space<hbm>> -> memref<4096xi32, #tpu.memory_space<hbm>>
        tpu.enqueue_dma source(%dma_start3A_85 : memref<4096xi32, #tpu.memory_space<hbm>>) target(%arg9 : memref<4096xi32, #tpu.memory_space<vmem>>) target_semaphore(%run_scoped3A : memref<!tpu.dma_semaphore, #tpu.memory_space<semaphore_mem>>)
        %dma_wait3A_86 = arith.constant 0 : i32
        %dma_wait3A_87 = tpu.memref_slice %arg4[%add3A, %dma_wait3A_86] : memref<26x4096xi32, #tpu.memory_space<hbm>> -> memref<1x4096xi32, #tpu.memory_space<hbm>>
        %dma_wait3A_88 = tpu.memref_squeeze %dma_wait3A_87 : memref<1x4096xi32, #tpu.memory_space<hbm>> -> memref<4096xi32, #tpu.memory_space<hbm>>
        %dma_wait3A_89 = arith.constant 0 : i32
        %dma_wait3A_90 = tpu.memref_slice %arg4[%add3A, %dma_wait3A_89] : memref<26x4096xi32, #tpu.memory_space<hbm>> -> memref<1x4096xi32, #tpu.memory_space<hbm>>
        %dma_wait3A_91 = tpu.memref_squeeze %dma_wait3A_90 : memref<1x4096xi32, #tpu.memory_space<hbm>> -> memref<4096xi32, #tpu.memory_space<hbm>>
        tpu.wait_dma2 semaphore(%run_scoped3A : memref<!tpu.dma_semaphore, #tpu.memory_space<semaphore_mem>>) src(%dma_wait3A_91 : memref<4096xi32, #tpu.memory_space<hbm>>) dst(%arg9 : memref<4096xi32, #tpu.memory_space<vmem>>)
        tpu.yield
      }) : () -> ()
      %dma_wait3A = arith.constant 0 : i32
      %dma_wait3A_50 = tpu.memref_slice %arg3[%add3A, %dma_wait3A] : memref<26x100000xf32, #tpu.memory_space<hbm>> -> memref<1x100000xf32, #tpu.memory_space<hbm>>
      %dma_wait3A_51 = tpu.memref_squeeze %dma_wait3A_50 : memref<1x100000xf32, #tpu.memory_space<hbm>> -> memref<100000xf32, #tpu.memory_space<hbm>>
      %dma_wait3A_52 = arith.constant 0 : i32
      %dma_wait3A_53 = tpu.memref_slice %dma_wait3A_51[%dma_wait3A_52] : memref<100000xf32, #tpu.memory_space<hbm>> -> memref<49920xf32, #tpu.memory_space<hbm>>
      %dma_wait3A_54 = arith.constant 0 : i32
      %dma_wait3A_55 = tpu.memref_slice %arg3[%add3A, %dma_wait3A_54] : memref<26x100000xf32, #tpu.memory_space<hbm>> -> memref<1x100000xf32, #tpu.memory_space<hbm>>
      %dma_wait3A_56 = tpu.memref_squeeze %dma_wait3A_55 : memref<1x100000xf32, #tpu.memory_space<hbm>> -> memref<100000xf32, #tpu.memory_space<hbm>>
      %dma_wait3A_57 = arith.constant 0 : i32
      %dma_wait3A_58 = tpu.memref_slice %dma_wait3A_56[%dma_wait3A_57] : memref<100000xf32, #tpu.memory_space<hbm>> -> memref<49920xf32, #tpu.memory_space<hbm>>
      tpu.wait_dma2 semaphore(%arg11 : memref<!tpu.dma_semaphore, #tpu.memory_space<semaphore_mem>>) src(%dma_wait3A_58 : memref<49920xf32, #tpu.memory_space<hbm>>) dst(%arg7 : memref<49920xf32, #tpu.memory_space<vmem>>)
      %scan3A = arith.constant 0 : i32
      %scan3A_59 = arith.constant 0 : i32
      %scan3A_60 = arith.constant 256 : i32
      %scan3A_61 = arith.addi %scan3A_59, %scan3A_60 : i32
      %scan3A_62 = arith.constant 8 : i32
      scf.for %scan3A_80 = %scan3A_59 to %scan3A_61 step %scan3A_62  : i32 {
        %mul3A_81 = arith.constant 16 : i32
        %mul3A_82 = arith.muli %scan3A_80, %mul3A_81 : i32
        %get3A = arith.index_cast %mul3A_82 : i32 to index
        %get3A_83 = tpu.vector_load %arg9[%get3A] {strides = array<i32>} : memref<4096xi32, #tpu.memory_space<vmem>>, vector<16xi32>,
        %lt3A_84 = arith.constant 49920 : i32
        %lt3A_85 = vector.broadcast %lt3A_84 : i32 to vector<16xi32>
        %lt3A_86 = arith.cmpi slt, %get3A_83, %lt3A_85 : vector<16xi32>
        %gather3A = tpu.vector_load_idx %arg7[%get3A_83] masked %lt3A_86 : memref<49920xf32, #tpu.memory_space<vmem>>[vector<16xi32>], vector<16xf32>, vector<16xi1>
        %mul3A_87 = arith.constant 16 : i32
        %mul3A_88 = arith.muli %scan3A_80, %mul3A_87 : i32
        %swap3A = arith.index_cast %mul3A_88 : i32 to index
        %swap3A_89 = tpu.vector_load %arg10[%swap3A] {strides = array<i32>} : memref<4096xf32, #tpu.memory_space<vmem>>, vector<16xf32>,
        tpu.vector_store %arg10[%swap3A], %gather3A {strides = array<i32>} : memref<4096xf32, #tpu.memory_space<vmem>>, vector<16xf32>,
        %scan3A_90 = arith.constant 1 : i32
        %scan3A_91 = arith.addi %scan3A_80, %scan3A_90 : i32
        %mul3A_92 = arith.constant 16 : i32
        %mul3A_93 = arith.muli %scan3A_91, %mul3A_92 : i32
        %get3A_94 = arith.index_cast %mul3A_93 : i32 to index
        %get3A_95 = tpu.vector_load %arg9[%get3A_94] {strides = array<i32>} : memref<4096xi32, #tpu.memory_space<vmem>>, vector<16xi32>,
        %lt3A_96 = arith.constant 49920 : i32
        %lt3A_97 = vector.broadcast %lt3A_96 : i32 to vector<16xi32>
        %lt3A_98 = arith.cmpi slt, %get3A_95, %lt3A_97 : vector<16xi32>
        %gather3A_99 = tpu.vector_load_idx %arg7[%get3A_95] masked %lt3A_98 : memref<49920xf32, #tpu.memory_space<vmem>>[vector<16xi32>], vector<16xf32>, vector<16xi1>
        %mul3A_100 = arith.constant 16 : i32
        %mul3A_101 = arith.muli %scan3A_91, %mul3A_100 : i32
        %swap3A_102 = arith.index_cast %mul3A_101 : i32 to index
        %swap3A_103 = tpu.vector_load %arg10[%swap3A_102] {strides = array<i32>} : memref<4096xf32, #tpu.memory_space<vmem>>, vector<16xf32>,
        tpu.vector_store %arg10[%swap3A_102], %gather3A_99 {strides = array<i32>} : memref<4096xf32, #tpu.memory_space<vmem>>, vector<16xf32>,
        %scan3A_104 = arith.constant 2 : i32
        %scan3A_105 = arith.addi %scan3A_80, %scan3A_104 : i32
        %mul3A_106 = arith.constant 16 : i32
        %mul3A_107 = arith.muli %scan3A_105, %mul3A_106 : i32
        %get3A_108 = arith.index_cast %mul3A_107 : i32 to index
        %get3A_109 = tpu.vector_load %arg9[%get3A_108] {strides = array<i32>} : memref<4096xi32, #tpu.memory_space<vmem>>, vector<16xi32>,
        %lt3A_110 = arith.constant 49920 : i32
        %lt3A_111 = vector.broadcast %lt3A_110 : i32 to vector<16xi32>
        %lt3A_112 = arith.cmpi slt, %get3A_109, %lt3A_111 : vector<16xi32>
        %gather3A_113 = tpu.vector_load_idx %arg7[%get3A_109] masked %lt3A_112 : memref<49920xf32, #tpu.memory_space<vmem>>[vector<16xi32>], vector<16xf32>, vector<16xi1>
        %mul3A_114 = arith.constant 16 : i32
        %mul3A_115 = arith.muli %scan3A_105, %mul3A_114 : i32
        %swap3A_116 = arith.index_cast %mul3A_115 : i32 to index
        %swap3A_117 = tpu.vector_load %arg10[%swap3A_116] {strides = array<i32>} : memref<4096xf32, #tpu.memory_space<vmem>>, vector<16xf32>,
        tpu.vector_store %arg10[%swap3A_116], %gather3A_113 {strides = array<i32>} : memref<4096xf32, #tpu.memory_space<vmem>>, vector<16xf32>,
        %scan3A_118 = arith.constant 3 : i32
        %scan3A_119 = arith.addi %scan3A_80, %scan3A_118 : i32
        %mul3A_120 = arith.constant 16 : i32
        %mul3A_121 = arith.muli %scan3A_119, %mul3A_120 : i32
        %get3A_122 = arith.index_cast %mul3A_121 : i32 to index
        %get3A_123 = tpu.vector_load %arg9[%get3A_122] {strides = array<i32>} : memref<4096xi32, #tpu.memory_space<vmem>>, vector<16xi32>,
        %lt3A_124 = arith.constant 49920 : i32
        %lt3A_125 = vector.broadcast %lt3A_124 : i32 to vector<16xi32>
        %lt3A_126 = arith.cmpi slt, %get3A_123, %lt3A_125 : vector<16xi32>
        %gather3A_127 = tpu.vector_load_idx %arg7[%get3A_123] masked %lt3A_126 : memref<49920xf32, #tpu.memory_space<vmem>>[vector<16xi32>], vector<16xf32>, vector<16xi1>
        %mul3A_128 = arith.constant 16 : i32
        %mul3A_129 = arith.muli %scan3A_119, %mul3A_128 : i32
        %swap3A_130 = arith.index_cast %mul3A_129 : i32 to index
        %swap3A_131 = tpu.vector_load %arg10[%swap3A_130] {strides = array<i32>} : memref<4096xf32, #tpu.memory_space<vmem>>, vector<16xf32>,
        tpu.vector_store %arg10[%swap3A_130], %gather3A_127 {strides = array<i32>} : memref<4096xf32, #tpu.memory_space<vmem>>, vector<16xf32>,
        %scan3A_132 = arith.constant 4 : i32
        %scan3A_133 = arith.addi %scan3A_80, %scan3A_132 : i32
        %mul3A_134 = arith.constant 16 : i32
        %mul3A_135 = arith.muli %scan3A_133, %mul3A_134 : i32
        %get3A_136 = arith.index_cast %mul3A_135 : i32 to index
        %get3A_137 = tpu.vector_load %arg9[%get3A_136] {strides = array<i32>} : memref<4096xi32, #tpu.memory_space<vmem>>, vector<16xi32>,
        %lt3A_138 = arith.constant 49920 : i32
        %lt3A_139 = vector.broadcast %lt3A_138 : i32 to vector<16xi32>
        %lt3A_140 = arith.cmpi slt, %get3A_137, %lt3A_139 : vector<16xi32>
        %gather3A_141 = tpu.vector_load_idx %arg7[%get3A_137] masked %lt3A_140 : memref<49920xf32, #tpu.memory_space<vmem>>[vector<16xi32>], vector<16xf32>, vector<16xi1>
        %mul3A_142 = arith.constant 16 : i32
        %mul3A_143 = arith.muli %scan3A_133, %mul3A_142 : i32
        %swap3A_144 = arith.index_cast %mul3A_143 : i32 to index
        %swap3A_145 = tpu.vector_load %arg10[%swap3A_144] {strides = array<i32>} : memref<4096xf32, #tpu.memory_space<vmem>>, vector<16xf32>,
        tpu.vector_store %arg10[%swap3A_144], %gather3A_141 {strides = array<i32>} : memref<4096xf32, #tpu.memory_space<vmem>>, vector<16xf32>,
        %scan3A_146 = arith.constant 5 : i32
        %scan3A_147 = arith.addi %scan3A_80, %scan3A_146 : i32
        %mul3A_148 = arith.constant 16 : i32
        %mul3A_149 = arith.muli %scan3A_147, %mul3A_148 : i32
        %get3A_150 = arith.index_cast %mul3A_149 : i32 to index
        %get3A_151 = tpu.vector_load %arg9[%get3A_150] {strides = array<i32>} : memref<4096xi32, #tpu.memory_space<vmem>>, vector<16xi32>,
        %lt3A_152 = arith.constant 49920 : i32
        %lt3A_153 = vector.broadcast %lt3A_152 : i32 to vector<16xi32>
        %lt3A_154 = arith.cmpi slt, %get3A_151, %lt3A_153 : vector<16xi32>
        %gather3A_155 = tpu.vector_load_idx %arg7[%get3A_151] masked %lt3A_154 : memref<49920xf32, #tpu.memory_space<vmem>>[vector<16xi32>], vector<16xf32>, vector<16xi1>
        %mul3A_156 = arith.constant 16 : i32
        %mul3A_157 = arith.muli %scan3A_147, %mul3A_156 : i32
        %swap3A_158 = arith.index_cast %mul3A_157 : i32 to index
        %swap3A_159 = tpu.vector_load %arg10[%swap3A_158] {strides = array<i32>} : memref<4096xf32, #tpu.memory_space<vmem>>, vector<16xf32>,
        tpu.vector_store %arg10[%swap3A_158], %gather3A_155 {strides = array<i32>} : memref<4096xf32, #tpu.memory_space<vmem>>, vector<16xf32>,
        %scan3A_160 = arith.constant 6 : i32
        %scan3A_161 = arith.addi %scan3A_80, %scan3A_160 : i32
        %mul3A_162 = arith.constant 16 : i32
        %mul3A_163 = arith.muli %scan3A_161, %mul3A_162 : i32
        %get3A_164 = arith.index_cast %mul3A_163 : i32 to index
        %get3A_165 = tpu.vector_load %arg9[%get3A_164] {strides = array<i32>} : memref<4096xi32, #tpu.memory_space<vmem>>, vector<16xi32>,
        %lt3A_166 = arith.constant 49920 : i32
        %lt3A_167 = vector.broadcast %lt3A_166 : i32 to vector<16xi32>
        %lt3A_168 = arith.cmpi slt, %get3A_165, %lt3A_167 : vector<16xi32>
        %gather3A_169 = tpu.vector_load_idx %arg7[%get3A_165] masked %lt3A_168 : memref<49920xf32, #tpu.memory_space<vmem>>[vector<16xi32>], vector<16xf32>, vector<16xi1>
        %mul3A_170 = arith.constant 16 : i32
        %mul3A_171 = arith.muli %scan3A_161, %mul3A_170 : i32
        %swap3A_172 = arith.index_cast %mul3A_171 : i32 to index
        %swap3A_173 = tpu.vector_load %arg10[%swap3A_172] {strides = array<i32>} : memref<4096xf32, #tpu.memory_space<vmem>>, vector<16xf32>,
        tpu.vector_store %arg10[%swap3A_172], %gather3A_169 {strides = array<i32>} : memref<4096xf32, #tpu.memory_space<vmem>>, vector<16xf32>,
        %scan3A_174 = arith.constant 7 : i32
        %scan3A_175 = arith.addi %scan3A_80, %scan3A_174 : i32
        %mul3A_176 = arith.constant 16 : i32
        %mul3A_177 = arith.muli %scan3A_175, %mul3A_176 : i32
        %get3A_178 = arith.index_cast %mul3A_177 : i32 to index
        %get3A_179 = tpu.vector_load %arg9[%get3A_178] {strides = array<i32>} : memref<4096xi32, #tpu.memory_space<vmem>>, vector<16xi32>,
        %lt3A_180 = arith.constant 49920 : i32
        %lt3A_181 = vector.broadcast %lt3A_180 : i32 to vector<16xi32>
        %lt3A_182 = arith.cmpi slt, %get3A_179, %lt3A_181 : vector<16xi32>
        %gather3A_183 = tpu.vector_load_idx %arg7[%get3A_179] masked %lt3A_182 : memref<49920xf32, #tpu.memory_space<vmem>>[vector<16xi32>], vector<16xf32>, vector<16xi1>
        %mul3A_184 = arith.constant 16 : i32
        %mul3A_185 = arith.muli %scan3A_175, %mul3A_184 : i32
        %swap3A_186 = arith.index_cast %mul3A_185 : i32 to index
        %swap3A_187 = tpu.vector_load %arg10[%swap3A_186] {strides = array<i32>} : memref<4096xf32, #tpu.memory_space<vmem>>, vector<16xf32>,
        tpu.vector_store %arg10[%swap3A_186], %gather3A_183 {strides = array<i32>} : memref<4096xf32, #tpu.memory_space<vmem>>, vector<16xf32>,
      }
      %scan3A_63 = arith.constant 256 : i32
      %dma_wait3A_64 = arith.constant 0 : i32
      %dma_wait3A_65 = tpu.memref_slice %arg3[%add3A, %dma_wait3A_64] : memref<26x100000xf32, #tpu.memory_space<hbm>> -> memref<1x100000xf32, #tpu.memory_space<hbm>>
      %dma_wait3A_66 = tpu.memref_squeeze %dma_wait3A_65 : memref<1x100000xf32, #tpu.memory_space<hbm>> -> memref<100000xf32, #tpu.memory_space<hbm>>
      %dma_wait3A_67 = arith.constant 49920 : i32
      %dma_wait3A_68 = tpu.memref_slice %dma_wait3A_66[%dma_wait3A_67] : memref<100000xf32, #tpu.memory_space<hbm>> -> memref<50080xf32, #tpu.memory_space<hbm>>
      %dma_wait3A_69 = arith.constant 0 : i32
      %dma_wait3A_70 = tpu.memref_slice %arg3[%add3A, %dma_wait3A_69] : memref<26x100000xf32, #tpu.memory_space<hbm>> -> memref<1x100000xf32, #tpu.memory_space<hbm>>
      %dma_wait3A_71 = tpu.memref_squeeze %dma_wait3A_70 : memref<1x100000xf32, #tpu.memory_space<hbm>> -> memref<100000xf32, #tpu.memory_space<hbm>>
      %dma_wait3A_72 = arith.constant 49920 : i32
      %dma_wait3A_73 = tpu.memref_slice %dma_wait3A_71[%dma_wait3A_72] : memref<100000xf32, #tpu.memory_space<hbm>> -> memref<50080xf32, #tpu.memory_space<hbm>>
      tpu.wait_dma2 semaphore(%arg12 : memref<!tpu.dma_semaphore, #tpu.memory_space<semaphore_mem>>) src(%dma_wait3A_73 : memref<50080xf32, #tpu.memory_space<hbm>>) dst(%arg8 : memref<50080xf32, #tpu.memory_space<vmem>>)
      %scan3A_74 = arith.constant 0 : i32
      %scan3A_75 = arith.constant 0 : i32
      %scan3A_76 = arith.constant 256 : i32
      %scan3A_77 = arith.addi %scan3A_75, %scan3A_76 : i32
      %scan3A_78 = arith.constant 8 : i32
      scf.for %scan3A_80 = %scan3A_75 to %scan3A_77 step %scan3A_78  : i32 {
        %mul3A_81 = arith.constant 16 : i32
        %mul3A_82 = arith.muli %scan3A_80, %mul3A_81 : i32
        %get3A = arith.index_cast %mul3A_82 : i32 to index
        %get3A_83 = tpu.vector_load %arg9[%get3A] {strides = array<i32>} : memref<4096xi32, #tpu.memory_space<vmem>>, vector<16xi32>,
        %ge3A = arith.constant 49920 : i32
        %ge3A_84 = vector.broadcast %ge3A : i32 to vector<16xi32>
        %ge3A_85 = arith.cmpi sge, %get3A_83, %ge3A_84 : vector<16xi32>
        %sub3A_86 = arith.constant 49920 : i32
        %sub3A_87 = vector.broadcast %sub3A_86 : i32 to vector<16xi32>
        %sub3A_88 = arith.subi %get3A_83, %sub3A_87 : vector<16xi32>
        %gather3A = tpu.vector_load_idx %arg8[%sub3A_88] masked %ge3A_85 : memref<50080xf32, #tpu.memory_space<vmem>>[vector<16xi32>], vector<16xf32>, vector<16xi1>
        %mul3A_89 = arith.constant 16 : i32
        %mul3A_90 = arith.muli %scan3A_80, %mul3A_89 : i32
        %get3A_91 = arith.index_cast %mul3A_90 : i32 to index
        %get3A_92 = tpu.vector_load %arg10[%get3A_91] {strides = array<i32>} : memref<4096xf32, #tpu.memory_space<vmem>>, vector<16xf32>,
        %select_n3A_93 = arith.select %ge3A_85, %gather3A, %get3A_92 : vector<16xi1>, vector<16xf32>
        %mul3A_94 = arith.constant 16 : i32
        %mul3A_95 = arith.muli %scan3A_80, %mul3A_94 : i32
        %swap3A = arith.index_cast %mul3A_95 : i32 to index
        %swap3A_96 = tpu.vector_load %arg10[%swap3A] {strides = array<i32>} : memref<4096xf32, #tpu.memory_space<vmem>>, vector<16xf32>,
        tpu.vector_store %arg10[%swap3A], %select_n3A_93 {strides = array<i32>} : memref<4096xf32, #tpu.memory_space<vmem>>, vector<16xf32>,
        %scan3A_97 = arith.constant 1 : i32
        %scan3A_98 = arith.addi %scan3A_80, %scan3A_97 : i32
        %mul3A_99 = arith.constant 16 : i32
        %mul3A_100 = arith.muli %scan3A_98, %mul3A_99 : i32
        %get3A_101 = arith.index_cast %mul3A_100 : i32 to index
        %get3A_102 = tpu.vector_load %arg9[%get3A_101] {strides = array<i32>} : memref<4096xi32, #tpu.memory_space<vmem>>, vector<16xi32>,
        %ge3A_103 = arith.constant 49920 : i32
        %ge3A_104 = vector.broadcast %ge3A_103 : i32 to vector<16xi32>
        %ge3A_105 = arith.cmpi sge, %get3A_102, %ge3A_104 : vector<16xi32>
        %sub3A_106 = arith.constant 49920 : i32
        %sub3A_107 = vector.broadcast %sub3A_106 : i32 to vector<16xi32>
        %sub3A_108 = arith.subi %get3A_102, %sub3A_107 : vector<16xi32>
        %gather3A_109 = tpu.vector_load_idx %arg8[%sub3A_108] masked %ge3A_105 : memref<50080xf32, #tpu.memory_space<vmem>>[vector<16xi32>], vector<16xf32>, vector<16xi1>
        %mul3A_110 = arith.constant 16 : i32
        %mul3A_111 = arith.muli %scan3A_98, %mul3A_110 : i32
        %get3A_112 = arith.index_cast %mul3A_111 : i32 to index
        %get3A_113 = tpu.vector_load %arg10[%get3A_112] {strides = array<i32>} : memref<4096xf32, #tpu.memory_space<vmem>>, vector<16xf32>,
        %select_n3A_114 = arith.select %ge3A_105, %gather3A_109, %get3A_113 : vector<16xi1>, vector<16xf32>
        %mul3A_115 = arith.constant 16 : i32
        %mul3A_116 = arith.muli %scan3A_98, %mul3A_115 : i32
        %swap3A_117 = arith.index_cast %mul3A_116 : i32 to index
        %swap3A_118 = tpu.vector_load %arg10[%swap3A_117] {strides = array<i32>} : memref<4096xf32, #tpu.memory_space<vmem>>, vector<16xf32>,
        tpu.vector_store %arg10[%swap3A_117], %select_n3A_114 {strides = array<i32>} : memref<4096xf32, #tpu.memory_space<vmem>>, vector<16xf32>,
        %scan3A_119 = arith.constant 2 : i32
        %scan3A_120 = arith.addi %scan3A_80, %scan3A_119 : i32
        %mul3A_121 = arith.constant 16 : i32
        %mul3A_122 = arith.muli %scan3A_120, %mul3A_121 : i32
        %get3A_123 = arith.index_cast %mul3A_122 : i32 to index
        %get3A_124 = tpu.vector_load %arg9[%get3A_123] {strides = array<i32>} : memref<4096xi32, #tpu.memory_space<vmem>>, vector<16xi32>,
        %ge3A_125 = arith.constant 49920 : i32
        %ge3A_126 = vector.broadcast %ge3A_125 : i32 to vector<16xi32>
        %ge3A_127 = arith.cmpi sge, %get3A_124, %ge3A_126 : vector<16xi32>
        %sub3A_128 = arith.constant 49920 : i32
        %sub3A_129 = vector.broadcast %sub3A_128 : i32 to vector<16xi32>
        %sub3A_130 = arith.subi %get3A_124, %sub3A_129 : vector<16xi32>
        %gather3A_131 = tpu.vector_load_idx %arg8[%sub3A_130] masked %ge3A_127 : memref<50080xf32, #tpu.memory_space<vmem>>[vector<16xi32>], vector<16xf32>, vector<16xi1>
        %mul3A_132 = arith.constant 16 : i32
        %mul3A_133 = arith.muli %scan3A_120, %mul3A_132 : i32
        %get3A_134 = arith.index_cast %mul3A_133 : i32 to index
        %get3A_135 = tpu.vector_load %arg10[%get3A_134] {strides = array<i32>} : memref<4096xf32, #tpu.memory_space<vmem>>, vector<16xf32>,
        %select_n3A_136 = arith.select %ge3A_127, %gather3A_131, %get3A_135 : vector<16xi1>, vector<16xf32>
        %mul3A_137 = arith.constant 16 : i32
        %mul3A_138 = arith.muli %scan3A_120, %mul3A_137 : i32
        %swap3A_139 = arith.index_cast %mul3A_138 : i32 to index
        %swap3A_140 = tpu.vector_load %arg10[%swap3A_139] {strides = array<i32>} : memref<4096xf32, #tpu.memory_space<vmem>>, vector<16xf32>,
        tpu.vector_store %arg10[%swap3A_139], %select_n3A_136 {strides = array<i32>} : memref<4096xf32, #tpu.memory_space<vmem>>, vector<16xf32>,
        %scan3A_141 = arith.constant 3 : i32
        %scan3A_142 = arith.addi %scan3A_80, %scan3A_141 : i32
        %mul3A_143 = arith.constant 16 : i32
        %mul3A_144 = arith.muli %scan3A_142, %mul3A_143 : i32
        %get3A_145 = arith.index_cast %mul3A_144 : i32 to index
        %get3A_146 = tpu.vector_load %arg9[%get3A_145] {strides = array<i32>} : memref<4096xi32, #tpu.memory_space<vmem>>, vector<16xi32>,
        %ge3A_147 = arith.constant 49920 : i32
        %ge3A_148 = vector.broadcast %ge3A_147 : i32 to vector<16xi32>
        %ge3A_149 = arith.cmpi sge, %get3A_146, %ge3A_148 : vector<16xi32>
        %sub3A_150 = arith.constant 49920 : i32
        %sub3A_151 = vector.broadcast %sub3A_150 : i32 to vector<16xi32>
        %sub3A_152 = arith.subi %get3A_146, %sub3A_151 : vector<16xi32>
        %gather3A_153 = tpu.vector_load_idx %arg8[%sub3A_152] masked %ge3A_149 : memref<50080xf32, #tpu.memory_space<vmem>>[vector<16xi32>], vector<16xf32>, vector<16xi1>
        %mul3A_154 = arith.constant 16 : i32
        %mul3A_155 = arith.muli %scan3A_142, %mul3A_154 : i32
        %get3A_156 = arith.index_cast %mul3A_155 : i32 to index
        %get3A_157 = tpu.vector_load %arg10[%get3A_156] {strides = array<i32>} : memref<4096xf32, #tpu.memory_space<vmem>>, vector<16xf32>,
        %select_n3A_158 = arith.select %ge3A_149, %gather3A_153, %get3A_157 : vector<16xi1>, vector<16xf32>
        %mul3A_159 = arith.constant 16 : i32
        %mul3A_160 = arith.muli %scan3A_142, %mul3A_159 : i32
        %swap3A_161 = arith.index_cast %mul3A_160 : i32 to index
        %swap3A_162 = tpu.vector_load %arg10[%swap3A_161] {strides = array<i32>} : memref<4096xf32, #tpu.memory_space<vmem>>, vector<16xf32>,
        tpu.vector_store %arg10[%swap3A_161], %select_n3A_158 {strides = array<i32>} : memref<4096xf32, #tpu.memory_space<vmem>>, vector<16xf32>,
        %scan3A_163 = arith.constant 4 : i32
        %scan3A_164 = arith.addi %scan3A_80, %scan3A_163 : i32
        %mul3A_165 = arith.constant 16 : i32
        %mul3A_166 = arith.muli %scan3A_164, %mul3A_165 : i32
        %get3A_167 = arith.index_cast %mul3A_166 : i32 to index
        %get3A_168 = tpu.vector_load %arg9[%get3A_167] {strides = array<i32>} : memref<4096xi32, #tpu.memory_space<vmem>>, vector<16xi32>,
        %ge3A_169 = arith.constant 49920 : i32
        %ge3A_170 = vector.broadcast %ge3A_169 : i32 to vector<16xi32>
        %ge3A_171 = arith.cmpi sge, %get3A_168, %ge3A_170 : vector<16xi32>
        %sub3A_172 = arith.constant 49920 : i32
        %sub3A_173 = vector.broadcast %sub3A_172 : i32 to vector<16xi32>
        %sub3A_174 = arith.subi %get3A_168, %sub3A_173 : vector<16xi32>
        %gather3A_175 = tpu.vector_load_idx %arg8[%sub3A_174] masked %ge3A_171 : memref<50080xf32, #tpu.memory_space<vmem>>[vector<16xi32>], vector<16xf32>, vector<16xi1>
        %mul3A_176 = arith.constant 16 : i32
        %mul3A_177 = arith.muli %scan3A_164, %mul3A_176 : i32
        %get3A_178 = arith.index_cast %mul3A_177 : i32 to index
        %get3A_179 = tpu.vector_load %arg10[%get3A_178] {strides = array<i32>} : memref<4096xf32, #tpu.memory_space<vmem>>, vector<16xf32>,
        %select_n3A_180 = arith.select %ge3A_171, %gather3A_175, %get3A_179 : vector<16xi1>, vector<16xf32>
        %mul3A_181 = arith.constant 16 : i32
        %mul3A_182 = arith.muli %scan3A_164, %mul3A_181 : i32
        %swap3A_183 = arith.index_cast %mul3A_182 : i32 to index
        %swap3A_184 = tpu.vector_load %arg10[%swap3A_183] {strides = array<i32>} : memref<4096xf32, #tpu.memory_space<vmem>>, vector<16xf32>,
        tpu.vector_store %arg10[%swap3A_183], %select_n3A_180 {strides = array<i32>} : memref<4096xf32, #tpu.memory_space<vmem>>, vector<16xf32>,
        %scan3A_185 = arith.constant 5 : i32
        %scan3A_186 = arith.addi %scan3A_80, %scan3A_185 : i32
        %mul3A_187 = arith.constant 16 : i32
        %mul3A_188 = arith.muli %scan3A_186, %mul3A_187 : i32
        %get3A_189 = arith.index_cast %mul3A_188 : i32 to index
        %get3A_190 = tpu.vector_load %arg9[%get3A_189] {strides = array<i32>} : memref<4096xi32, #tpu.memory_space<vmem>>, vector<16xi32>,
        %ge3A_191 = arith.constant 49920 : i32
        %ge3A_192 = vector.broadcast %ge3A_191 : i32 to vector<16xi32>
        %ge3A_193 = arith.cmpi sge, %get3A_190, %ge3A_192 : vector<16xi32>
        %sub3A_194 = arith.constant 49920 : i32
        %sub3A_195 = vector.broadcast %sub3A_194 : i32 to vector<16xi32>
        %sub3A_196 = arith.subi %get3A_190, %sub3A_195 : vector<16xi32>
        %gather3A_197 = tpu.vector_load_idx %arg8[%sub3A_196] masked %ge3A_193 : memref<50080xf32, #tpu.memory_space<vmem>>[vector<16xi32>], vector<16xf32>, vector<16xi1>
        %mul3A_198 = arith.constant 16 : i32
        %mul3A_199 = arith.muli %scan3A_186, %mul3A_198 : i32
        %get3A_200 = arith.index_cast %mul3A_199 : i32 to index
        %get3A_201 = tpu.vector_load %arg10[%get3A_200] {strides = array<i32>} : memref<4096xf32, #tpu.memory_space<vmem>>, vector<16xf32>,
        %select_n3A_202 = arith.select %ge3A_193, %gather3A_197, %get3A_201 : vector<16xi1>, vector<16xf32>
        %mul3A_203 = arith.constant 16 : i32
        %mul3A_204 = arith.muli %scan3A_186, %mul3A_203 : i32
        %swap3A_205 = arith.index_cast %mul3A_204 : i32 to index
        %swap3A_206 = tpu.vector_load %arg10[%swap3A_205] {strides = array<i32>} : memref<4096xf32, #tpu.memory_space<vmem>>, vector<16xf32>,
        tpu.vector_store %arg10[%swap3A_205], %select_n3A_202 {strides = array<i32>} : memref<4096xf32, #tpu.memory_space<vmem>>, vector<16xf32>,
        %scan3A_207 = arith.constant 6 : i32
        %scan3A_208 = arith.addi %scan3A_80, %scan3A_207 : i32
        %mul3A_209 = arith.constant 16 : i32
        %mul3A_210 = arith.muli %scan3A_208, %mul3A_209 : i32
        %get3A_211 = arith.index_cast %mul3A_210 : i32 to index
        %get3A_212 = tpu.vector_load %arg9[%get3A_211] {strides = array<i32>} : memref<4096xi32, #tpu.memory_space<vmem>>, vector<16xi32>,
        %ge3A_213 = arith.constant 49920 : i32
        %ge3A_214 = vector.broadcast %ge3A_213 : i32 to vector<16xi32>
        %ge3A_215 = arith.cmpi sge, %get3A_212, %ge3A_214 : vector<16xi32>
        %sub3A_216 = arith.constant 49920 : i32
        %sub3A_217 = vector.broadcast %sub3A_216 : i32 to vector<16xi32>
        %sub3A_218 = arith.subi %get3A_212, %sub3A_217 : vector<16xi32>
        %gather3A_219 = tpu.vector_load_idx %arg8[%sub3A_218] masked %ge3A_215 : memref<50080xf32, #tpu.memory_space<vmem>>[vector<16xi32>], vector<16xf32>, vector<16xi1>
        %mul3A_220 = arith.constant 16 : i32
        %mul3A_221 = arith.muli %scan3A_208, %mul3A_220 : i32
        %get3A_222 = arith.index_cast %mul3A_221 : i32 to index
        %get3A_223 = tpu.vector_load %arg10[%get3A_222] {strides = array<i32>} : memref<4096xf32, #tpu.memory_space<vmem>>, vector<16xf32>,
        %select_n3A_224 = arith.select %ge3A_215, %gather3A_219, %get3A_223 : vector<16xi1>, vector<16xf32>
        %mul3A_225 = arith.constant 16 : i32
        %mul3A_226 = arith.muli %scan3A_208, %mul3A_225 : i32
        %swap3A_227 = arith.index_cast %mul3A_226 : i32 to index
        %swap3A_228 = tpu.vector_load %arg10[%swap3A_227] {strides = array<i32>} : memref<4096xf32, #tpu.memory_space<vmem>>, vector<16xf32>,
        tpu.vector_store %arg10[%swap3A_227], %select_n3A_224 {strides = array<i32>} : memref<4096xf32, #tpu.memory_space<vmem>>, vector<16xf32>,
        %scan3A_229 = arith.constant 7 : i32
        %scan3A_230 = arith.addi %scan3A_80, %scan3A_229 : i32
        %mul3A_231 = arith.constant 16 : i32
        %mul3A_232 = arith.muli %scan3A_230, %mul3A_231 : i32
        %get3A_233 = arith.index_cast %mul3A_232 : i32 to index
        %get3A_234 = tpu.vector_load %arg9[%get3A_233] {strides = array<i32>} : memref<4096xi32, #tpu.memory_space<vmem>>, vector<16xi32>,
        %ge3A_235 = arith.constant 49920 : i32
        %ge3A_236 = vector.broadcast %ge3A_235 : i32 to vector<16xi32>
        %ge3A_237 = arith.cmpi sge, %get3A_234, %ge3A_236 : vector<16xi32>
        %sub3A_238 = arith.constant 49920 : i32
        %sub3A_239 = vector.broadcast %sub3A_238 : i32 to vector<16xi32>
        %sub3A_240 = arith.subi %get3A_234, %sub3A_239 : vector<16xi32>
        %gather3A_241 = tpu.vector_load_idx %arg8[%sub3A_240] masked %ge3A_237 : memref<50080xf32, #tpu.memory_space<vmem>>[vector<16xi32>], vector<16xf32>, vector<16xi1>
        %mul3A_242 = arith.constant 16 : i32
        %mul3A_243 = arith.muli %scan3A_230, %mul3A_242 : i32
        %get3A_244 = arith.index_cast %mul3A_243 : i32 to index
        %get3A_245 = tpu.vector_load %arg10[%get3A_244] {strides = array<i32>} : memref<4096xf32, #tpu.memory_space<vmem>>, vector<16xf32>,
        %select_n3A_246 = arith.select %ge3A_237, %gather3A_241, %get3A_245 : vector<16xi1>, vector<16xf32>
        %mul3A_247 = arith.constant 16 : i32
        %mul3A_248 = arith.muli %scan3A_230, %mul3A_247 : i32
        %swap3A_249 = arith.index_cast %mul3A_248 : i32 to index
        %swap3A_250 = tpu.vector_load %arg10[%swap3A_249] {strides = array<i32>} : memref<4096xf32, #tpu.memory_space<vmem>>, vector<16xf32>,
        tpu.vector_store %arg10[%swap3A_249], %select_n3A_246 {strides = array<i32>} : memref<4096xf32, #tpu.memory_space<vmem>>, vector<16xf32>,
      }
      %scan3A_79 = arith.constant 256 : i32
      "tpu.region"() ({
        %run_scoped3A = tpu.sem_alloc : memref<!tpu.dma_semaphore, #tpu.memory_space<semaphore_mem>>
        %dma_start3A_80 = arith.constant 0 : i32
        %dma_start3A_81 = tpu.memref_slice %arg6[%add3A, %dma_start3A_80] : memref<26x4096xf32, #tpu.memory_space<hbm>> -> memref<1x4096xf32, #tpu.memory_space<hbm>>
        %dma_start3A_82 = tpu.memref_squeeze %dma_start3A_81 : memref<1x4096xf32, #tpu.memory_space<hbm>> -> memref<4096xf32, #tpu.memory_space<hbm>>
        %dma_start3A_83 = arith.constant 0 : i32
        %dma_start3A_84 = tpu.memref_slice %arg6[%add3A, %dma_start3A_83] : memref<26x4096xf32, #tpu.memory_space<hbm>> -> memref<1x4096xf32, #tpu.memory_space<hbm>>
        %dma_start3A_85 = tpu.memref_squeeze %dma_start3A_84 : memref<1x4096xf32, #tpu.memory_space<hbm>> -> memref<4096xf32, #tpu.memory_space<hbm>>
        tpu.enqueue_dma source(%arg10 : memref<4096xf32, #tpu.memory_space<vmem>>) target(%dma_start3A_85 : memref<4096xf32, #tpu.memory_space<hbm>>) target_semaphore(%run_scoped3A : memref<!tpu.dma_semaphore, #tpu.memory_space<semaphore_mem>>)
        %dma_wait3A_86 = arith.constant 0 : i32
        %dma_wait3A_87 = tpu.memref_slice %arg6[%add3A, %dma_wait3A_86] : memref<26x4096xf32, #tpu.memory_space<hbm>> -> memref<1x4096xf32, #tpu.memory_space<hbm>>
        %dma_wait3A_88 = tpu.memref_squeeze %dma_wait3A_87 : memref<1x4096xf32, #tpu.memory_space<hbm>> -> memref<4096xf32, #tpu.memory_space<hbm>>
        %dma_wait3A_89 = arith.constant 0 : i32
        %dma_wait3A_90 = tpu.memref_slice %arg6[%add3A, %dma_wait3A_89] : memref<26x4096xf32, #tpu.memory_space<hbm>> -> memref<1x4096xf32, #tpu.memory_space<hbm>>
        %dma_wait3A_91 = tpu.memref_squeeze %dma_wait3A_90 : memref<1x4096xf32, #tpu.memory_space<hbm>> -> memref<4096xf32, #tpu.memory_space<hbm>>
        tpu.wait_dma2 semaphore(%run_scoped3A : memref<!tpu.dma_semaphore, #tpu.memory_space<semaphore_mem>>) src(%arg10 : memref<4096xf32, #tpu.memory_space<vmem>>) dst(%dma_wait3A_91 : memref<4096xf32, #tpu.memory_space<hbm>>)
        tpu.yield
      }) : () -> ()
    } else {
    }
    return
  }
}

module attributes {stable_mosaic.version = 14 : i64} {
  func.func @_mlp_body(%arg0: i32, %arg1: memref<416x1024xf32, #tpu.memory_space<vmem>>, %arg2: memref<26x1024xf32, #tpu.memory_space<vmem>>, %arg3: memref<416x512xf32, #tpu.memory_space<vmem>>, %arg4: memref<1x512xf32, #tpu.memory_space<vmem>>, %arg5: memref<512x256xf32, #tpu.memory_space<vmem>>, %arg6: memref<1x256xf32, #tpu.memory_space<vmem>>, %arg7: memref<256x1xf32, #tpu.memory_space<vmem>>, %arg8: memref<1x1xf32, #tpu.memory_space<vmem>>, %arg9: memref<1x1024xf32, #tpu.memory_space<vmem>>) attributes {dimension_semantics = [#tpu.dimension_semantics<arbitrary>], iteration_bounds = array<i64: 4>, scalar_prefetch = 0 : i64, scratch_operands = 0 : i64, tpu.core_type = #tpu.core_type<tc>, window_params = [{transform_indices = @transform_0, window_bounds = array<i64: 416, 1024>}, {transform_indices = @transform_1, window_bounds = array<i64: 26, 1024>}, {pipeline_mode = #tpu.pipeline_mode<synchronous>, transform_indices = @transform_2, window_bounds = array<i64: 416, 512>}, {pipeline_mode = #tpu.pipeline_mode<synchronous>, transform_indices = @transform_3, window_bounds = array<i64: 1, 512>}, {pipeline_mode = #tpu.pipeline_mode<synchronous>, transform_indices = @transform_4, window_bounds = array<i64: 512, 256>}, {pipeline_mode = #tpu.pipeline_mode<synchronous>, transform_indices = @transform_5, window_bounds = array<i64: 1, 256>}, {pipeline_mode = #tpu.pipeline_mode<synchronous>, transform_indices = @transform_6, window_bounds = array<i64: 256, 1>}, {pipeline_mode = #tpu.pipeline_mode<synchronous>, transform_indices = @transform_7, window_bounds = array<i64: 1, 1>}, {transform_indices = @transform_8, window_bounds = array<i64: 1, 1024>}]} {
    %get3A = arith.constant 0 : index
    %get3A_0 = arith.constant 0 : index
    %get3A_1 = vector.load %arg1[%get3A, %get3A_0] : memref<416x1024xf32, #tpu.memory_space<vmem>>, vector<416x1024xf32>
    %get3A_2 = arith.constant 0 : index
    %get3A_3 = arith.constant 0 : index
    %get3A_4 = vector.load %arg3[%get3A_2, %get3A_3] : memref<416x512xf32, #tpu.memory_space<vmem>>, vector<416x512xf32>
    %dot_general3A = arith.constant dense<0.000000e+00> : vector<1024x512xf32>
    %dot_general3A_5 = tpu.matmul %get3A_1, %get3A_4, %dot_general3A {dimension_numbers = #tpu.dot_dimension_numbers<[0], [0], [1], [1], [0, 1, 1, 1], [], []>, transpose_lhs_hint = false} : vector<416x1024xf32>, vector<416x512xf32>, vector<1024x512xf32> -> vector<1024x512xf32>
    %get3A_6 = arith.constant 0 : index
    %get3A_7 = arith.constant 0 : index
    %get3A_8 = vector.load %arg4[%get3A_6, %get3A_7] : memref<1x512xf32, #tpu.memory_space<vmem>>, vector<1x512xf32>
    %add3A = vector.broadcast %get3A_8 : vector<1x512xf32> to vector<1024x512xf32>
    %add3A_9 = arith.addf %dot_general3A_5, %add3A : vector<1024x512xf32>
    %max3A = arith.constant 0.000000e+00 : f32
    %max3A_10 = vector.broadcast %max3A : f32 to vector<1024x512xf32>
    %max3A_11 = arith.maximumf %add3A_9, %max3A_10 : vector<1024x512xf32>
    %get3A_12 = arith.constant 0 : index
    %get3A_13 = arith.constant 0 : index
    %get3A_14 = vector.load %arg5[%get3A_12, %get3A_13] : memref<512x256xf32, #tpu.memory_space<vmem>>, vector<512x256xf32>
    %dot_general3A_15 = arith.constant dense<0.000000e+00> : vector<1024x256xf32>
    %dot_general3A_16 = tpu.matmul %max3A_11, %get3A_14, %dot_general3A_15 {dimension_numbers = #tpu.dot_dimension_numbers<[1], [0], [0], [1], [0, 0, 1, 1], [], []>, transpose_lhs_hint = false} : vector<1024x512xf32>, vector<512x256xf32>, vector<1024x256xf32> -> vector<1024x256xf32>
    %get3A_17 = arith.constant 0 : index
    %get3A_18 = arith.constant 0 : index
    %get3A_19 = vector.load %arg6[%get3A_17, %get3A_18] : memref<1x256xf32, #tpu.memory_space<vmem>>, vector<1x256xf32>
    %add3A_20 = vector.broadcast %get3A_19 : vector<1x256xf32> to vector<1024x256xf32>
    %add3A_21 = arith.addf %dot_general3A_16, %add3A_20 : vector<1024x256xf32>
    %max3A_22 = arith.constant 0.000000e+00 : f32
    %max3A_23 = vector.broadcast %max3A_22 : f32 to vector<1024x256xf32>
    %max3A_24 = arith.maximumf %add3A_21, %max3A_23 : vector<1024x256xf32>
    %get3A_25 = arith.constant 0 : index
    %get3A_26 = arith.constant 0 : index
    %get3A_27 = vector.load %arg7[%get3A_25, %get3A_26] : memref<256x1xf32, #tpu.memory_space<vmem>>, vector<256x1xf32>
    %dot_general3A_28 = arith.constant dense<0.000000e+00> : vector<1x1024xf32>
    %dot_general3A_29 = tpu.matmul %get3A_27, %max3A_24, %dot_general3A_28 {dimension_numbers = #tpu.dot_dimension_numbers<[0], [1], [1], [0], [0, 1, 1, 0], [], []>, transpose_lhs_hint = false} : vector<256x1xf32>, vector<1024x256xf32>, vector<1x1024xf32> -> vector<1x1024xf32>
    %get3A_30 = arith.constant 0 : index
    %get3A_31 = arith.constant 0 : index
    %get3A_32 = vector.load %arg2[%get3A_30, %get3A_31] : memref<26x1024xf32, #tpu.memory_space<vmem>>, vector<26x1024xf32>
    %reduce_sum3A = arith.constant dense<0.000000e+00> : vector<1024xf32>
    %reduce_sum3A_33 = vector.multi_reduction <add>, %get3A_32, %reduce_sum3A [0] : vector<26x1024xf32> to vector<1024xf32>
    %broadcast_in_dim3A = vector.shape_cast %reduce_sum3A_33 : vector<1024xf32> to vector<1x1024xf32>
    %add3A_34 = arith.addf %dot_general3A_29, %broadcast_in_dim3A : vector<1x1024xf32>
    %get3A_35 = arith.constant 0 : index
    %get3A_36 = arith.constant 0 : index
    %get3A_37 = vector.load %arg8[%get3A_35, %get3A_36] : memref<1x1xf32, #tpu.memory_space<vmem>>, vector<1x1xf32>
    %add3A_38 = vector.broadcast %get3A_37 : vector<1x1xf32> to vector<1x1024xf32>
    %add3A_39 = arith.addf %add3A_34, %add3A_38 : vector<1x1024xf32>
    %logistic3A = arith.negf %add3A_39 : vector<1x1024xf32>
    %logistic3A_40 = math.exp %logistic3A : vector<1x1024xf32>
    %logistic3A_41 = arith.constant 1.000000e+00 : f32
    %logistic3A_42 = vector.broadcast %logistic3A_41 : f32 to vector<1x1024xf32>
    %logistic3A_43 = arith.addf %logistic3A_42, %logistic3A_40 : vector<1x1024xf32>
    %logistic3A_44 = arith.divf %logistic3A_42, %logistic3A_43 : vector<1x1024xf32>
    %swap3A = arith.constant 0 : index
    %swap3A_45 = arith.constant 0 : index
    %swap3A_46 = vector.load %arg9[%swap3A, %swap3A_45] : memref<1x1024xf32, #tpu.memory_space<vmem>>, vector<1x1024xf32>
    tpu.vector_store %arg9[%swap3A, %swap3A_45], %logistic3A_44 {strides = array<i32>} : memref<1x1024xf32, #tpu.memory_space<vmem>>, vector<1x1024xf32>,
    return
  }
  func.func @transform_0(%arg0: i32) -> (i32, i32) {
    %c0_i32 = arith.constant 0 : i32
    %c0_i32_0 = arith.constant 0 : i32
    return %c0_i32, %arg0 : i32, i32
  }
  func.func @transform_1(%arg0: i32) -> (i32, i32) {
    %c0_i32 = arith.constant 0 : i32
    %c0_i32_0 = arith.constant 0 : i32
    return %c0_i32, %arg0 : i32, i32
  }
  func.func @transform_2(%arg0: i32) -> (i32, i32) {
    %c0_i32 = arith.constant 0 : i32
    %c0_i32_0 = arith.constant 0 : i32
    %c0_i32_1 = arith.constant 0 : i32
    return %c0_i32, %c0_i32_0 : i32, i32
  }
  func.func @transform_3(%arg0: i32) -> (i32, i32) {
    %c0_i32 = arith.constant 0 : i32
    %c0_i32_0 = arith.constant 0 : i32
    %c0_i32_1 = arith.constant 0 : i32
    return %c0_i32, %c0_i32_0 : i32, i32
  }
  func.func @transform_4(%arg0: i32) -> (i32, i32) {
    %c0_i32 = arith.constant 0 : i32
    %c0_i32_0 = arith.constant 0 : i32
    %c0_i32_1 = arith.constant 0 : i32
    return %c0_i32, %c0_i32_0 : i32, i32
  }
  func.func @transform_5(%arg0: i32) -> (i32, i32) {
    %c0_i32 = arith.constant 0 : i32
    %c0_i32_0 = arith.constant 0 : i32
    %c0_i32_1 = arith.constant 0 : i32
    return %c0_i32, %c0_i32_0 : i32, i32
  }
  func.func @transform_6(%arg0: i32) -> (i32, i32) {
    %c0_i32 = arith.constant 0 : i32
    %c0_i32_0 = arith.constant 0 : i32
    %c0_i32_1 = arith.constant 0 : i32
    return %c0_i32, %c0_i32_0 : i32, i32
  }
  func.func @transform_7(%arg0: i32) -> (i32, i32) {
    %c0_i32 = arith.constant 0 : i32
    %c0_i32_0 = arith.constant 0 : i32
    %c0_i32_1 = arith.constant 0 : i32
    return %c0_i32, %c0_i32_0 : i32, i32
  }
  func.func @transform_8(%arg0: i32) -> (i32, i32) {
    %c0_i32 = arith.constant 0 : i32
    %c0_i32_0 = arith.constant 0 : i32
    return %c0_i32, %arg0 : i32, i32
  }
}

</mosaic_0001>

<sc_bundles>
// kernel: kernel.4.cloned.1.call-start
scs
__scs_entry_jumppad:
0x0: {  	(pc) =	sbr.rel $0x88, $3  }
0x1: {  	(tag) =	ssettag $0x0;
	lr =	simm.s32 $0x1  }
0x2: {  	[smem:$0x3F98] =	sst lr;
	_ =	strace $0xD0000000  }
0x3: {  	_ = 	snop  }
0x4: {  	_ = 	snop  }
0x5: {  	_ = 	snop  }
0x6: {  	_ = 	snop  }
0x7: {  	_ = 	snop  }
__scs_overlays_trampoline_lowered:
0x8: {  	[smem:$0x3FA7] =	sst s0  }
0x9: {  	[smem:$0x3FA8] =	sst s1  }
0xa: {  	[smem:$0x3FA9] =	sst s2  }
0xb: {  	[smem:$0x3FAA] =	sst s3  }
0xc: {  	[smem:$0x3FAB] =	sst s4  }
0xd: {  	[smem:$0x3FAC] =	sst s5  }
0xe: {  	[smem:$0x3FAD] =	sst s6  }
0xf: {  	[smem:$0x3FAE] =	sst s7  }
0x10: {  	[smem:$0x3FAF] =	sst s8  }
0x11: {  	[smem:$0x3FB0] =	sst s9;
	s0 =	simm.s32 @!p0 $0x0  }
0x12: {  	s1 =	sld [smem:$0x3F96];
	s0 =	simm.s32 @p0 $0x1  }
0x13: {  	[smem:$0x3FB1] =	sst s0;
	s0 =	simm.s32 @!p1 $0x0  }
0x14: {  	s2 =	sld [smem:$0x3F95];
	s0 =	simm.s32 @p1 $0x1  }
0x15: {  	[smem:$0x3FB2] =	sst s0;
	s0 =	simm.s32 @!p2 $0x0  }
0x16: {  	s3 =	sld [smem:$0x3FDB];
	s0 =	simm.s32 @p2 $0x1  }
0x17: {  	s4 =	simm.s32 $0x1BF5;
	[smem:$0x3FB4] =	sst s0  }
0x18: {  	s0 =	sld [smem:$0x3F97];
	_ =	swait.ge [sflag:s4], $0x0  }
0x19: {  	s7 =	sld [smem:$0x3F98]  }
0x1a: {  	s8 =	sadd.s32 $0xFFFFE003, lr  }
0x1b: {  	s9 =	sadd.s32 $0xFFFFFEF7, lr;
	s5 =	simm.s32 $0xFFFFFFFF;
	p2 =	slt.u32 s8, $0xFFFFF086  }
0x1c: {  	p1 =	slt.u32 s9, $0xF7A;
	s5 =	simm.s32 @!p2 $0x0  }
0x1d: {  	s5 =	simm.s32 @p1 $0x1;
	p0 =	seq.s32 s7, s2  }
0x1e: {  	s7 =	smul.u32 @!p0 $0xF7A, s2;
	p2 =	seq.s32 @!p0 s5, $0x0  }
0x1f: {  	s9 =	smul.u32 $0xF7A, s1;
	s8 =	simm.s32 @!p0 $0x1BF5;
	p2 =	por !p2, p0  }
0x20: {  	[sflag:s8] =	ssyncset.s32 @!p0 $0xFFFFF086;
	s6 =	sadd.s32 @!p0 s3, s7;
	s7 =	simm.s32 @!p0 $0x108  }
0x21: {  	s3 =	sadd.s32 s3, s9;
	s6 =	sadd.s32 @!p0 $0x88, s6;
	s7 =	simm.s32 @p2 $0x1082  }
0x22: {  	[simem:s7], [sflag:s8] =	dma.local @!p0 [hbm:s6], $0xF7A  }
0x23: {  	s9 =	sor.u32 $0xD0000000, s2;
	s6 =	simm.s32 $0x108;
	_ =	swait.ge @!p0 [sflag:s8], $0x0  }
0x24: {  	s3 =	sadd.s32 $0x88, s3;
	s6 =	simm.s32 @!p1 $0x1082;
	[sflag:s4] =	ssyncset.s32 $0xFFFFF086  }
0x25: {  	[simem:s6], [sflag:s4] =	dma.local [hbm:s3], $0xF7A  }
0x26: {  	[smem:$0x3F98] =	sst s1;
	(tag) =	ssettag s2;
	_ =	strace s9  }
0x27: {  	s1 =	sld [smem:$0x3FA8]  }
0x28: {  	s2 =	sld [smem:$0x3FA9]  }
0x29: {  	s4 =	sld [smem:$0x3FAB]  }
0x2a: {  	p0 =	seq.s32 s5, $0x0;
	s5 =	sld [smem:$0x3FAC]  }
0x2b: {  	s6 =	sld [smem:$0x3FAD]  }
0x2c: {  	s7 =	sld [smem:$0x3FAE]  }
0x2d: {  	s3 =	simm.s32 $0x108;
	s8 =	sld [smem:$0x3FAF]  }
0x2e: {  	s3 =	simm.s32 @!p0 $0x1082;
	s9 =	sld [smem:$0x3FB0]  }
0x2f: {  	lr =	sadd.s32 s0, s3;
	s0 =	sld [smem:$0x3FA7]  }
0x30: {  	s3 =	sld [smem:$0x3FAA]  }
0x31: {  	[smem:$0x3FB3] =	sst s10  }
0x32: {  	s10 =	sld [smem:$0x3FB1];
	_ =	sdelay $0x3  }
0x33: {  	p0 =	seq.s32 s10, $0x1;
	s10 =	sld [smem:$0x3FB3];
	_ =	sdelay $0x3  }
0x34: {  	[smem:$0x3FB3] =	sst s10  }
0x35: {  	s10 =	sld [smem:$0x3FB2];
	_ =	sdelay $0x3  }
0x36: {  	p1 =	seq.s32 s10, $0x1;
	s10 =	sld [smem:$0x3FB3];
	_ =	sdelay $0x3  }
0x37: {  	[smem:$0x3FB3] =	sst s10  }
0x38: {  	s10 =	sld [smem:$0x3FB4]  }
0x39: {  	_ = 	snop;
	(pc) =	sbr.ind lr, $3  }
0x3a: {  	_ = 	snop  }
0x3b: {  	_ = 	snop  }
0x3c: {  	p2 =	seq.s32 s10, $0x1;
	s10 =	sld [smem:$0x3FB3]  }
0x3d: {  	_ =	shalt  }
0x3e: {  	_ =	shalt  }
0x3f: {  	_ =	shalt  }
0x40: {  	_ =	shalt  }
0x41: {  	_ =	shalt  }
0x42: {  	_ =	shalt  }
0x43: {  	_ =	shalt  }
0x44: {  	_ =	shalt  }
0x45: {  	_ =	shalt  }
0x46: {  	_ =	shalt  }
0x47: {  	_ =	shalt  }
0x48: {  	_ =	shalt  }
0x49: {  	_ =	shalt  }
0x4a: {  	_ =	shalt  }
0x4b: {  	_ =	shalt  }
0x4c: {  	_ =	shalt  }
0x4d: {  	_ =	shalt  }
0x4e: {  	_ =	shalt  }
0x4f: {  	_ =	shalt  }
0x50: {  	_ =	shalt  }
0x51: {  	_ =	shalt  }
0x52: {  	_ =	shalt  }
0x53: {  	_ =	shalt  }
0x54: {  	_ =	shalt  }
0x55: {  	_ =	shalt  }
0x56: {  	_ =	shalt  }
0x57: {  	_ =	shalt  }
0x58: {  	_ =	shalt  }
0x59: {  	_ =	shalt  }
0x5a: {  	_ =	shalt  }
0x5b: {  	_ =	shalt  }
0x5c: {  	_ =	shalt  }
0x5d: {  	_ =	shalt  }
0x5e: {  	_ =	shalt  }
0x5f: {  	_ =	shalt  }
0x60: {  	_ =	shalt  }
0x61: {  	_ =	shalt  }
0x62: {  	_ =	shalt  }
0x63: {  	_ =	shalt  }
0x64: {  	_ =	shalt  }
0x65: {  	_ =	shalt  }
0x66: {  	_ =	shalt  }
0x67: {  	_ =	shalt  }
0x68: {  	_ =	shalt  }
0x69: {  	_ =	shalt  }
0x6a: {  	_ =	shalt  }
0x6b: {  	_ =	shalt  }
0x6c: {  	_ =	shalt  }
0x6d: {  	_ =	shalt  }
0x6e: {  	_ =	shalt  }
0x6f: {  	_ =	shalt  }
0x70: {  	_ =	shalt  }
0x71: {  	_ =	shalt  }
0x72: {  	_ =	shalt  }
0x73: {  	_ =	shalt  }
0x74: {  	_ =	shalt  }
0x75: {  	_ =	shalt  }
0x76: {  	_ =	shalt  }
0x77: {  	_ =	shalt  }
0x78: {  	_ =	shalt  }
0x79: {  	_ =	shalt  }
0x7a: {  	_ =	shalt  }
0x7b: {  	_ =	shalt  }
0x7c: {  	_ =	shalt  }
0x7d: {  	_ =	shalt  }
0x7e: {  	_ =	shalt  }
0x7f: {  	_ =	shalt  }
0x80: {  	_ =	shalt  }
0x81: {  	_ =	shalt  }
0x82: {  	_ =	shalt  }
0x83: {  	_ =	shalt  }
0x84: {  	_ =	shalt  }
0x85: {  	_ =	shalt  }
0x86: {  	_ =	shalt  }
0x87: {  	_ =	shalt  }
.Lfunc_end0:
.L_simem_size_0:
called_computation_lowered:
.L_overlay_start_0:
0x88: {  	s2 =	sld [smem:$0x3FD9]  }
0x89: {  	s3 =	sld [smem:$0x3FFE];
	_ =	sdelay $0x1  }
0x8a: {  	s1 =	srdreg.scid  }
0x8b: {  	s0 =	sand.u32 $0x1, s1  }
0x8c: {  	s17 =	sshll.u32 s0, $0xA;
	s2 =	sadd.s32 s3, s2  }
0x8d: {  	s2 =	sadd.s32 s2, s17  }
0x8e: {  	[smem:$0x3FBF] =	sst s2  }
0x8f: {  	_ = 	snop  }
0x90: {  	s2 =	sld [smem:$0x3FC9]  }
0x91: {  	s18 =	sld [smem:$0x3FC8];
	(tm) =	ssettm $0x1  }
0x92: {  	s4 =	sld [smem:$0x3FFB];
	_ =	sdelay $0x3  }
0x93: {  	_ =	strace s4  }
0x94: {  	s4 =	sld [smem:$0x3FFC];
	_ =	sdelay $0x3  }
0x95: {  	_ =	strace s4  }
0x96: {  	s4 =	sld [smem:$0x3FFD];
	_ =	sdelay $0x3  }
0x97: {  	_ =	strace s4  }
0x98: {  	_ =	strace $0x8FFFFFFF  }
0x99: {  	s19 =	sld [smem:$0x3FDB];
	_ =	sdelay $0x1  }
0x9a: {  	s5 =	simm.s32 $_scs_section_size  }
0x9b: {  	s6 =	simm.s32 $_size__tile_overlayer_lowered;
	s7 =	simm.s32 $_tile_overlayer_lowered  }
0x9c: {  	s22 =	simm.s32 $0x1BFF;
	s21 =	sshll.u32 s7, $0x1;
	s4 =	sadd.s32 s5, s19  }
0x9d: {  	s8 =	simm.s32 $0x0;
	s20 =	sshll.u32 s6, $0x1;
	s6 =	sadd.s32 s21, s4  }
0x9e: {  	[timem:s8], [sflag:s22] =	dma.local [hbm:s6], s20  }
0x9f: {  	_ =	swait.ge [sflag:s22], s20  }
0xa0: {  	s5 =	ssub.s32 $0x0, s20;
	[sflag:s22] =	ssyncset.done $0x0  }
0xa1: {  	[sflag:s22] =	ssyncadd.s32 s5;
	_ =	sdelay $0x1  }
0xa2: {  	s23 =	simm.s32 $0x1B8B  }
0xa3: {  	_ =	swait.ge [sflag:s23], $0x1  }
0xa4: {  	[sflag:s23] =	ssyncset.done $0x0  }
0xa5: {  	s25 =	simm.s32 $0x1B8E;
	s24 =	sld [smem:$0x3FFE];
	[sflag:s23] =	ssyncadd.s32 $0xFFFFFFFF  }
0xa6: {  	s26 =	simm.s32 $execute0_lowered;
	[smem:$0x3FD2] =	sst s25  }
0xa7: {  	s6 =	sshll.u32 s26, $0x1;
	_ =	strace $0x80000046;
	[dreg:$0x1] =	wrdreg $0xFFFFFFFF  }
0xa8: {  	s28 =	simm.s32 $_size_execute0_lowered;
	s4 =	sadd.s32 s4, s6;
	[dreg:$0x0] =	wrdreg $0x0  }
0xa9: {  	s6 =	sshll.u32 s28, $0x1;
	[dreg:$0x2] =	wrdreg s4  }
0xaa: {  	[dreg:$0x3] =	wrdreg s6  }
0xab: {  	[dreg:$0x4] =	wrdreg $0xC0  }
0xac: {  	_ =	task [dreg:s8], $0x5FFFF  }
0xad: {  	[dreg:$0x1] =	wrdreg $0xFFFFFFFF  }
0xae: {  	[dreg:$0x0] =	wrdreg $0x60  }
0xaf: {  	[dreg:$0x2] =	wrdreg s18  }
0xb0: {  	[dreg:$0x3] =	wrdreg s24  }
0xb1: {  	[dreg:$0x4] =	wrdreg s2  }
0xb2: {  	[dreg:$0x5] =	wrdreg $0x9  }
0xb3: {  	_ =	task.clear_ibuf [dreg:s8], $0x6FFFF;
	_ =	strace $0x90000046  }
0xb4: {  	s29 =	simm.s32 $0x9;
	_ =	strace $0x80000048  }
0xb5: {  	_ =	swait.ge [sflag:s29], $0x1  }
0xb6: {  	[sflag:s29] =	ssyncadd.s32 $0xFFFFFFFF  }
0xb7: {  	_ =	strace $0x90000048  }
0xb8: {  	_ =	sfence  }
0xb9: {  	s30 =	sld [smem:$0x0];
	_ =	sdelay $0x2  }
0xba: {  	s31 =	sshll.u32 s1, $0xD;
	s1 =	sshrl.u32 s1, $0x2  }
0xbb: {  	s3 =	sand.u32 $0x4000, s31;
	s1 =	sadd.s32 s1, s30  }
0xbc: {  	s0 =	sor.u32 s3, s0;
	s1 =	sshll.u32 s1, $0x11  }
0xbd: {  	s0 =	sor.u32 s1, s0  }
0xbe: {  	s0 =	sadd.s32 $0x8F2B, s0  }
0xbf: {  	[sflag:s0] =	ssyncadd.remote.s32 $0x1  }
0xc0: {  	_ =	sfence.sel $0xFFFF  }
0xc1: {  	[dreg:$0x0] =	wrdreg $0xFFFFFFFF;
	(pc) =	sbr.abs _section_cstart, $3  }
0xc2: {  	[dreg:$0x1] =	wrdreg $0xFFFFFFFF  }
0xc3: {  	_ =	task.clear_ibuf [dreg:s8], $0x2FFFF;
	_ =	strace $0x9FFFFFFF  }
0xc4: {  	(tm) =	ssettm $0x7FFFFFFF  }
0xc5: {  	_ =	shalt  }
tec
execute0_lowered:
.L_overlay_start_1:
0x0: {  	(tag) =	ssettag $0x1  }
0x1: {  	s1 =	rddreg [dreg:$0x0]  }
0x2: {  	s2 =	rddreg [dreg:$0x1];
	s4 =	srdreg.scid  }
0x3: {  	s0 =	stileid.u32;
	s3 =	rddreg [dreg:$0x2]  }
0x4: {  	s15 =	simm.s32 $0x400;
	s16 =	simm.s32 $0x18700;
	s17 =	simm.s32 $0x3  }
0x5: {  	s19 =	simm.s32 $0xC300;
	s20 =	simm.s32 $0x1;
	s21 =	simm.s32 $0x2  }
0x6: {  	s22 =	simm.s32 $0x19700;
	s23 =	simm.s32 $0x4;
	s24 =	simm.s32 $0x0  }
0x7: {  	s7 =	sand.u32 $0x1, s4;
	s26 =	sshll.u32 s0, $0x1;
	s5 =	sshrl.u32 s0, $0x2  }
0x8: {  	s4 =	simm.s32 $0x0;
	s28 =	sshll.u32 s0, $0xA;
	s8 =	sor.u32 s7, s26  }
0x9: {  	p0 =	slt.u32 s0, $0xD;
	s5 =	smul.u32 $0xC3800, s5;
	s6 =	sshll.u32 s8, $0x7  }
0xa: {  	p1 =	sgt.u32 s0, $0xC;
	[smem:$0x7FF] =	sst s4;
	s6 =	sand.u32 $0x380, s6  }
0xb: {  	s7 =	ssub.s32 $0x2, s7;
	_ =	strace $0x80000047;
	s5 =	sor.u32 s5, s6  }
0xc: {  	s9 =	sshll.u32 s8, $0x4;
	s29 =	smul.u32 $0x1A0, s8;
	s5 =	sshrl.u32 s5, $0x3  }
0xd: {  	s13 =	sshrl.u32 s7, $0x1;
	s10 =	sadd.s32 s5, s2;
	s5 =	smul.u32 $0xD, s8  }
0xe: {  	s9 =	sor.u32 s28, s9;
	s13 =	ssub.s32 s7, s13;
	s6 =	sadd.s32 $0x63200, s2  }
0xf: {  	s11 =	sand.u32 $0x3070, s9;
	s8 =	smul.u32 $0x280, s8;
	s12 =	sshrl.u32 s5, $0x3  }
0x10: {  	s9 =	sand.u32 $0x3000, s29;
	s13 =	smax.u32 s13, $0x1;
	s12 =	smul.u32 $0xC3800, s12  }
.Ltmp0:
0x11: {  	s2 =	sadd.s32 s11, s2;
	s8 =	sand.u32 $0x380, s8;
	(pc) =	sbr.rel .LBB2_1-.Ltmp0, $4  }
0x12: {  	s11 =	sadd.s32 s3, s11;
	s30 =	sand.u32 $0x70, s5;
	s12 =	sor.u32 s8, s12  }
0x13: {  	s10 =	sadd.s32 $0x1600, s10;
	s14 =	sadd.s32 s3, s30;
	s31 =	sshrl.u32 s12, $0x3  }
0x14: {  	s7 =	sadd.s32 $0xD, s5;
	s8 =	sadd.s32 s9, s14;
	s9 =	sadd.s32 s1, s31  }
0x15: {  	s14 =	simm.s32 $0x80;
	s12 =	sadd.s32 $0x97200, s2;
	s18 =	sadd.s32 $0xC300, s9  }
.LBB2_13:
0x16: {  	s24 =	sadd.s32 $0x1, s24  }
0x17: {  	p2 =	sne.s32 s24, s13  }
.Ltmp1:
0x18: {  	_ = 	snop;
	(pc) =	sbr.rel @!p2 .LBB2_14-.Ltmp1, $1  }
0x19: {  	_ =	sdelay $0x3  }
.LBB2_1:
0x1a: {  	[tilespmem:s16], [sflag:$0x3] =	stream.strided.gather [hbm4b:s8+s14], $0x1000, s15, s14, $0x38;
	[tilespmem:$0x1A700] =	vst v63  }
0x1b: {  	_ =	swait.ge [sflag:s17], $0x1000  }
0x1c: {  	[sflag:s17] =	ssyncset.done $0x0  }
0x1d: {  	[sflag:s17] =	ssyncadd.s32 $0xFFFFF000  }
0x1e: {  	[tilespmem:s4], [sflag:$0x1] =	stream.strided.gather [hbm4b:s9+s14], $0xC300, s15, s14, $0x38;
	[tilespmem:$0x1A700] =	vst v63  }
0x1f: {  	s25 =	smov.u32 s5  }
0x20: {  	[tilespmem:s19], [sflag:$0x2] =	stream.strided.gather [hbm4b:s18+s14], $0xC400, s15, s14, $0x38;
	[tilespmem:$0x1A700] =	vst v63  }
.LBB2_2:
0x21: {  	_ =	swait.ge [sflag:s20], $0xC300  }
0x22: {  	s2 =	simm.s32 $0xFFFFFFF8;
	[sflag:s20] =	ssyncset.done $0x0  }
0x23: {  	s26 =	simm.s32 $0x18740;
	s28 =	simm.s32 $0x19740;
	[sflag:s20] =	ssyncadd.s32 $0xFFFF3D00  }
.LBB2_3:
0x24: {  	v0 =	vld [tilespmem:s26+$0xFFFFFFC0];
	_ =	sdelay $0x4  }
0x25: {  	vm0 =	vlt.s32 v0, $0xC300;
	_ =	sdelay $0x5  }
0x26: {  	v0 =	vld.idx.msk [tilespmem:v0+s4+$0x0], vm0;
	_ =	sdelay $0x4  }
0x27: {  	[tilespmem:s28+$0xFFFFFFC0] =	vst v0  }
0x28: {  	v0 =	vld [tilespmem:s26+$0xFFFFFFD0];
	_ =	sdelay $0x4  }
0x29: {  	vm9 =	vlt.s32 v0, $0xC300;
	_ =	sdelay $0x5  }
0x2a: {  	v0 =	vld.idx.msk [tilespmem:v0+s4+$0x0], vm9;
	_ =	sdelay $0x4  }
0x2b: {  	[tilespmem:s28+$0xFFFFFFD0] =	vst v0  }
0x2c: {  	v0 =	vld [tilespmem:s26+$0xFFFFFFE0];
	_ =	sdelay $0x4  }
0x2d: {  	vm10 =	vlt.s32 v0, $0xC300;
	_ =	sdelay $0x5  }
0x2e: {  	v0 =	vld.idx.msk [tilespmem:v0+s4+$0x0], vm10;
	_ =	sdelay $0x4  }
0x2f: {  	[tilespmem:s28+$0xFFFFFFE0] =	vst v0  }
0x30: {  	v0 =	vld [tilespmem:s26+$0xFFFFFFF0];
	_ =	sdelay $0x4  }
0x31: {  	vm11 =	vlt.s32 v0, $0xC300;
	_ =	sdelay $0x5  }
0x32: {  	v0 =	vld.idx.msk [tilespmem:v0+s4+$0x0], vm11;
	_ =	sdelay $0x4  }
0x33: {  	[tilespmem:s28+$0xFFFFFFF0] =	vst v0  }
0x34: {  	v0 =	vld [tilespmem:s26+$0x0];
	_ =	sdelay $0x4  }
0x35: {  	vm12 =	vlt.s32 v0, $0xC300;
	_ =	sdelay $0x5  }
0x36: {  	v0 =	vld.idx.msk [tilespmem:v0+s4+$0x0], vm12;
	_ =	sdelay $0x4  }
0x37: {  	[tilespmem:s28+$0x0] =	vst v0  }
0x38: {  	v0 =	vld [tilespmem:s26+$0x10];
	_ =	sdelay $0x4  }
0x39: {  	vm13 =	vlt.s32 v0, $0xC300;
	_ =	sdelay $0x5  }
0x3a: {  	v0 =	vld.idx.msk [tilespmem:v0+s4+$0x0], vm13;
	_ =	sdelay $0x4  }
0x3b: {  	[tilespmem:s28+$0x10] =	vst v0  }
0x3c: {  	v0 =	vld [tilespmem:s26+$0x20];
	_ =	sdelay $0x4  }
0x3d: {  	vm14 =	vlt.s32 v0, $0xC300;
	_ =	sdelay $0x5  }
0x3e: {  	v0 =	vld.idx.msk [tilespmem:v0+s4+$0x0], vm14;
	_ =	sdelay $0x4  }
0x3f: {  	[tilespmem:s28+$0x20] =	vst v0  }
0x40: {  	v0 =	vld [tilespmem:s26+$0x30];
	_ =	sdelay $0x4  }
0x41: {  	vm15 =	vlt.s32 v0, $0xC300;
	_ =	sdelay $0x4  }
0x42: {  	s2 =	sadd.s32 $0x8, s2  }
0x43: {  	p2 =	slt.u32 s2, $0xF8;
	v0 =	vld.idx.msk [tilespmem:v0+s4+$0x0], vm15  }
.Ltmp2:
0x44: {  	_ = 	snop;
	(pc) =	sbr.rel @p2 .LBB2_3-.Ltmp2, $2  }
0x45: {  	_ =	sdelay $0x2  }
0x46: {  	s26 =	sadd.s32 $0x80, s26;
	[tilespmem:s28+$0x30] =	vst v0;
	s28 =	sadd.s32 $0x80, s28  }
0x47: {  	s26 =	sadd.s32 $0x1, s25  }
0x48: {  	p2 =	sge.u32 s26, s7  }
0x49: {  	s2 =	sshrl.u32 @!p2 s26, $0x3  }
0x4a: {  	s28 =	sshll.u32 @!p2 s26, $0x7;
	s2 =	smul.u32 @!p2 $0xC3800, s2  }
0x4b: {  	s28 =	sand.u32 @!p2 $0x380, s28  }
0x4c: {  	p3 =	seq.s32 s26, s7;
	s29 =	simm.s32 @!p2 $0x400;
	s2 =	sor.u32 @!p2 s28, s2  }
0x4d: {  	s30 =	simm.s32 @!p2 $0x0;
	p3 =	por !p0, !p3;
	s2 =	sshrl.u32 @!p2 s2, $0x3  }
0x4e: {  	p3 =	por !p3, !p3;
	s28 =	sadd.s32 @!p2 s1, s2;
	s2 =	simm.s32 @!p2 $0x80  }
0x4f: {  	[tilespmem:s30], [sflag:$0x1] =	stream.strided.gather @!p2 [hbm4b:s28+s2], $0xC300, s29, s2, $0x38;
	[tilespmem:$0x1A700] =	vst v63  }
0x50: {  	s2 =	simm.s32 @p3 $0x80;
	s29 =	simm.s32 @p3 $0x400;
	s30 =	simm.s32 @p3 $0x0  }
0x51: {  	[tilespmem:s30], [sflag:$0x1] =	stream.strided.gather @p3 [hbm4b:s10+s2], $0xC300, s29, s2, $0x38;
	[tilespmem:$0x1A700] =	vst v63  }
0x52: {  	s31 =	simm.s32 $0x18740;
	_ =	swait.ge [sflag:s21], $0xC400  }
0x53: {  	s2 =	sshll.u32 s25, $0x7;
	s30 =	simm.s32 $0xFFFFFFF8;
	[sflag:s21] =	ssyncset.done $0x0  }
0x54: {  	s29 =	sand.u32 $0x380, s2;
	s2 =	simm.s32 $0x19740;
	[sflag:s21] =	ssyncadd.s32 $0xFFFF3C00  }
.LBB2_5:
0x55: {  	v0 =	vld [tilespmem:s31+$0xFFFFFFC0];
	_ =	sdelay $0x4  }
0x56: {  	vm0 =	vgt.s32 v0, $0xC2FF  }
0x57: {  	v0 =	vadd.s32 $0xFFFF3D00, v0;
	_ =	sdelay $0x3  }
0x58: {  	v1 =	vld [tilespmem:s2+$0xFFFFFFC0]  }
0x59: {  	v0 =	vld.idx.msk [tilespmem:v0+s19+$0x0], vm0;
	_ =	sdelay $0x4  }
0x5a: {  	v0 =	vsel vm0, v0, v1  }
0x5b: {  	[tilespmem:s2+$0xFFFFFFC0] =	vst v0  }
0x5c: {  	v0 =	vld [tilespmem:s31+$0xFFFFFFD0];
	_ =	sdelay $0x4  }
0x5d: {  	vm9 =	vgt.s32 v0, $0xC2FF  }
0x5e: {  	v0 =	vadd.s32 $0xFFFF3D00, v0;
	_ =	sdelay $0x3  }
0x5f: {  	v57 =	vld [tilespmem:s2+$0xFFFFFFD0]  }
0x60: {  	v0 =	vld.idx.msk [tilespmem:v0+s19+$0x0], vm9;
	_ =	sdelay $0x4  }
0x61: {  	v0 =	vsel vm9, v0, v57  }
0x62: {  	[tilespmem:s2+$0xFFFFFFD0] =	vst v0  }
0x63: {  	v0 =	vld [tilespmem:s31+$0xFFFFFFE0];
	_ =	sdelay $0x4  }
0x64: {  	vm10 =	vgt.s32 v0, $0xC2FF  }
0x65: {  	v0 =	vadd.s32 $0xFFFF3D00, v0;
	_ =	sdelay $0x3  }
0x66: {  	v58 =	vld [tilespmem:s2+$0xFFFFFFE0]  }
0x67: {  	v0 =	vld.idx.msk [tilespmem:v0+s19+$0x0], vm10;
	_ =	sdelay $0x4  }
0x68: {  	v0 =	vsel vm10, v0, v58  }
0x69: {  	[tilespmem:s2+$0xFFFFFFE0] =	vst v0  }
0x6a: {  	v0 =	vld [tilespmem:s31+$0xFFFFFFF0];
	_ =	sdelay $0x4  }
0x6b: {  	vm11 =	vgt.s32 v0, $0xC2FF  }
0x6c: {  	v0 =	vadd.s32 $0xFFFF3D00, v0;
	_ =	sdelay $0x3  }
0x6d: {  	v59 =	vld [tilespmem:s2+$0xFFFFFFF0]  }
0x6e: {  	v0 =	vld.idx.msk [tilespmem:v0+s19+$0x0], vm11;
	_ =	sdelay $0x4  }
0x6f: {  	v0 =	vsel vm11, v0, v59  }
0x70: {  	[tilespmem:s2+$0xFFFFFFF0] =	vst v0  }
0x71: {  	v0 =	vld [tilespmem:s31+$0x0];
	_ =	sdelay $0x4  }
0x72: {  	vm12 =	vgt.s32 v0, $0xC2FF  }
0x73: {  	v0 =	vadd.s32 $0xFFFF3D00, v0;
	_ =	sdelay $0x3  }
0x74: {  	v60 =	vld [tilespmem:s2+$0x0]  }
0x75: {  	v0 =	vld.idx.msk [tilespmem:v0+s19+$0x0], vm12;
	_ =	sdelay $0x4  }
0x76: {  	v0 =	vsel vm12, v0, v60  }
0x77: {  	[tilespmem:s2+$0x0] =	vst v0  }
0x78: {  	v0 =	vld [tilespmem:s31+$0x10];
	_ =	sdelay $0x4  }
0x79: {  	vm13 =	vgt.s32 v0, $0xC2FF  }
0x7a: {  	v0 =	vadd.s32 $0xFFFF3D00, v0;
	_ =	sdelay $0x3  }
0x7b: {  	v61 =	vld [tilespmem:s2+$0x10]  }
0x7c: {  	v0 =	vld.idx.msk [tilespmem:v0+s19+$0x0], vm13;
	_ =	sdelay $0x4  }
0x7d: {  	v0 =	vsel vm13, v0, v61  }
0x7e: {  	[tilespmem:s2+$0x10] =	vst v0  }
0x7f: {  	v0 =	vld [tilespmem:s31+$0x20];
	_ =	sdelay $0x4  }
0x80: {  	vm14 =	vgt.s32 v0, $0xC2FF  }
0x81: {  	v0 =	vadd.s32 $0xFFFF3D00, v0;
	_ =	sdelay $0x3  }
0x82: {  	v62 =	vld [tilespmem:s2+$0x20]  }
0x83: {  	v0 =	vld.idx.msk [tilespmem:v0+s19+$0x0], vm14;
	_ =	sdelay $0x4  }
0x84: {  	v0 =	vsel vm14, v0, v62  }
0x85: {  	[tilespmem:s2+$0x20] =	vst v0  }
0x86: {  	v0 =	vld [tilespmem:s31+$0x30];
	_ =	sdelay $0x4  }
0x87: {  	vm15 =	vgt.s32 v0, $0xC2FF  }
0x88: {  	v0 =	vadd.s32 $0xFFFF3D00, v0;
	_ =	sdelay $0x3  }
0x89: {  	v63 =	vld [tilespmem:s2+$0x30]  }
0x8a: {  	s30 =	sadd.s32 $0x8, s30;
	v0 =	vld.idx.msk [tilespmem:v0+s19+$0x0], vm15  }
0x8b: {  	p4 =	slt.u32 s30, $0xF8  }
.Ltmp3:
0x8c: {  	_ = 	snop;
	(pc) =	sbr.rel @p4 .LBB2_5-.Ltmp3, $3  }
0x8d: {  	_ =	sdelay $0x1  }
0x8e: {  	v0 =	vsel vm15, v0, v63  }
0x8f: {  	s31 =	sadd.s32 $0x80, s31;
	[tilespmem:s2+$0x30] =	vst v0;
	s2 =	sadd.s32 $0x80, s2  }
0x90: {  	s2 =	sadd.s32 @!p2 $0xC300, s28  }
0x91: {  	s28 =	simm.s32 @!p2 $0x80;
	s30 =	simm.s32 @!p2 $0x400;
	s31 =	simm.s32 @!p2 $0xC300  }
0x92: {  	[tilespmem:s31], [sflag:$0x2] =	stream.strided.gather @!p2 [hbm4b:s2+s28], $0xC400, s30, s28, $0x38;
	[tilespmem:$0x1A700] =	vst v63  }
0x93: {  	s2 =	sadd.s32 @p3 $0xC300, s10  }
0x94: {  	s28 =	simm.s32 @p3 $0x80;
	s30 =	simm.s32 @p3 $0x400;
	s31 =	simm.s32 @p3 $0xC300  }
0x95: {  	[tilespmem:s31], [sflag:$0x2] =	stream.strided.gather @p3 [hbm4b:s2+s28], $0xC400, s30, s28, $0x38;
	[tilespmem:$0x1A700] =	vst v63  }
0x96: {  	s31 =	sshll.u32 s25, $0xC  }
0x97: {  	s2 =	sand.u32 $0xFFFF8000, s31  }
0x98: {  	s2 =	sor.u32 s29, s2  }
0x99: {  	s2 =	sshrl.u32 s2, $0x3  }
0x9a: {  	s2 =	sadd.s32 s6, s2  }
0x9b: {  	[hbm4b:s2+s14] =	stream.strided.scatter [tilespmem:s22], [sflag:$0x4], $0x1000, s15, s14, $0x38;
	[tilespmem:$0x1A700] =	vst v63  }
0x9c: {  	s2 =	sand.u32 $0xF, s26  }
0x9d: {  	p3 =	sne.s32 @!p2 s2, $0x0  }
0x9e: {  	p2 =	por p3, p2  }
0x9f: {  	s2 =	sshll.u32 @!p2 s26, $0x8;
	s25 =	sshll.u32 @!p2 s26, $0x3  }
0xa0: {  	_ =	swait.ge [sflag:s23], $0x1000;
	s2 =	sand.u32 @!p2 $0x7FFF8000, s2;
	s25 =	sand.u32 @!p2 $0x380, s25  }
0xa1: {  	[sflag:s23] =	ssyncset.done $0x0;
	p3 =	slt.u32 s26, s7;
	s2 =	sor.u32 @!p2 s25, s2  }
0xa2: {  	[sflag:s23] =	ssyncadd.s32 $0xFFFFF000;
	s28 =	simm.s32 @!p2 $0x400;
	s2 =	sshrl.u32 @!p2 s2, $0x3  }
0xa3: {  	s29 =	simm.s32 @!p2 $0x18700;
	s25 =	simm.s32 @!p2 $0x80;
	s2 =	sadd.s32 @!p2 s3, s2  }
0xa4: {  	[tilespmem:s29], [sflag:$0x3] =	stream.strided.gather @!p2 [hbm4b:s2+s25], $0x1000, s28, s25, $0x38;
	[tilespmem:$0x1A700] =	vst v63  }
.Ltmp4:
0xa5: {  	_ = 	snop;
	(pc) =	sbr.rel @p3 .LBB2_2-.Ltmp4, $4  }
0xa6: {  	s2 =	simm.s32 @!p2 $0x3  }
0xa7: {  	_ =	swait.ge @!p2 [sflag:s2], $0x1000  }
0xa8: {  	[sflag:s2] =	ssyncset.done @!p2 $0x0  }
0xa9: {  	s25 =	smov.u32 s26;
	[sflag:s2] =	ssyncadd.s32 @!p2 $0xFFFFF000  }
.Ltmp5:
0xaa: {  	(pc) =	sbr.rel @p1 .LBB2_13-.Ltmp5, $1  }
0xab: {  	_ =	sdelay $0x3  }
0xac: {  	[tilespmem:s16], [sflag:$0x3] =	stream.strided.gather [hbm4b:s11+s14], $0x1000, s15, s14, $0x38;
	[tilespmem:$0x1A700] =	vst v63  }
0xad: {  	_ =	swait.ge [sflag:s17], $0x1000  }
0xae: {  	[sflag:s17] =	ssyncset.done $0x0  }
0xaf: {  	[sflag:s17] =	ssyncadd.s32 $0xFFFFF000  }
0xb0: {  	_ =	swait.ge [sflag:s20], $0xC300  }
0xb1: {  	s2 =	simm.s32 $0xFFFFFFF8;
	[sflag:s20] =	ssyncset.done $0x0  }
0xb2: {  	s25 =	simm.s32 $0x18740;
	s26 =	simm.s32 $0x19740;
	[sflag:s20] =	ssyncadd.s32 $0xFFFF3D00  }
.LBB2_9:
0xb3: {  	v0 =	vld [tilespmem:s25+$0xFFFFFFC0];
	_ =	sdelay $0x4  }
0xb4: {  	vm0 =	vlt.s32 v0, $0xC300;
	_ =	sdelay $0x5  }
0xb5: {  	v0 =	vld.idx.msk [tilespmem:v0+s4+$0x0], vm0;
	_ =	sdelay $0x4  }
0xb6: {  	[tilespmem:s26+$0xFFFFFFC0] =	vst v0  }
0xb7: {  	v0 =	vld [tilespmem:s25+$0xFFFFFFD0];
	_ =	sdelay $0x4  }
0xb8: {  	vm9 =	vlt.s32 v0, $0xC300;
	_ =	sdelay $0x5  }
0xb9: {  	v0 =	vld.idx.msk [tilespmem:v0+s4+$0x0], vm9;
	_ =	sdelay $0x4  }
0xba: {  	[tilespmem:s26+$0xFFFFFFD0] =	vst v0  }
0xbb: {  	v0 =	vld [tilespmem:s25+$0xFFFFFFE0];
	_ =	sdelay $0x4  }
0xbc: {  	vm10 =	vlt.s32 v0, $0xC300;
	_ =	sdelay $0x5  }
0xbd: {  	v0 =	vld.idx.msk [tilespmem:v0+s4+$0x0], vm10;
	_ =	sdelay $0x4  }
0xbe: {  	[tilespmem:s26+$0xFFFFFFE0] =	vst v0  }
0xbf: {  	v0 =	vld [tilespmem:s25+$0xFFFFFFF0];
	_ =	sdelay $0x4  }
0xc0: {  	vm11 =	vlt.s32 v0, $0xC300;
	_ =	sdelay $0x5  }
0xc1: {  	v0 =	vld.idx.msk [tilespmem:v0+s4+$0x0], vm11;
	_ =	sdelay $0x4  }
0xc2: {  	[tilespmem:s26+$0xFFFFFFF0] =	vst v0  }
0xc3: {  	v0 =	vld [tilespmem:s25+$0x0];
	_ =	sdelay $0x4  }
0xc4: {  	vm12 =	vlt.s32 v0, $0xC300;
	_ =	sdelay $0x5  }
0xc5: {  	v0 =	vld.idx.msk [tilespmem:v0+s4+$0x0], vm12;
	_ =	sdelay $0x4  }
0xc6: {  	[tilespmem:s26+$0x0] =	vst v0  }
0xc7: {  	v0 =	vld [tilespmem:s25+$0x10];
	_ =	sdelay $0x4  }
0xc8: {  	vm13 =	vlt.s32 v0, $0xC300;
	_ =	sdelay $0x5  }
0xc9: {  	v0 =	vld.idx.msk [tilespmem:v0+s4+$0x0], vm13;
	_ =	sdelay $0x4  }
0xca: {  	[tilespmem:s26+$0x10] =	vst v0  }
0xcb: {  	v0 =	vld [tilespmem:s25+$0x20];
	_ =	sdelay $0x4  }
0xcc: {  	vm14 =	vlt.s32 v0, $0xC300;
	_ =	sdelay $0x5  }
0xcd: {  	v0 =	vld.idx.msk [tilespmem:v0+s4+$0x0], vm14;
	_ =	sdelay $0x4  }
0xce: {  	[tilespmem:s26+$0x20] =	vst v0  }
0xcf: {  	v0 =	vld [tilespmem:s25+$0x30];
	_ =	sdelay $0x4  }
0xd0: {  	vm15 =	vlt.s32 v0, $0xC300;
	_ =	sdelay $0x4  }
0xd1: {  	s2 =	sadd.s32 $0x8, s2  }
0xd2: {  	p2 =	slt.u32 s2, $0xF8;
	v0 =	vld.idx.msk [tilespmem:v0+s4+$0x0], vm15  }
.Ltmp6:
0xd3: {  	_ = 	snop;
	(pc) =	sbr.rel @p2 .LBB2_9-.Ltmp6, $2  }
0xd4: {  	_ =	sdelay $0x2  }
0xd5: {  	s25 =	sadd.s32 $0x80, s25;
	[tilespmem:s26+$0x30] =	vst v0;
	s26 =	sadd.s32 $0x80, s26  }
0xd6: {  	_ =	swait.ge [sflag:s21], $0xC400  }
0xd7: {  	s25 =	simm.s32 $0xFFFFFFF8;
	[sflag:s21] =	ssyncset.done $0x0  }
0xd8: {  	s26 =	simm.s32 $0x18740;
	s2 =	simm.s32 $0x19740;
	[sflag:s21] =	ssyncadd.s32 $0xFFFF3C00  }
.LBB2_11:
0xd9: {  	v0 =	vld [tilespmem:s26+$0xFFFFFFC0];
	_ =	sdelay $0x4  }
0xda: {  	vm0 =	vgt.s32 v0, $0xC2FF  }
0xdb: {  	v0 =	vadd.s32 $0xFFFF3D00, v0;
	_ =	sdelay $0x3  }
0xdc: {  	v1 =	vld [tilespmem:s2+$0xFFFFFFC0]  }
0xdd: {  	v0 =	vld.idx.msk [tilespmem:v0+s19+$0x0], vm0;
	_ =	sdelay $0x4  }
0xde: {  	v0 =	vsel vm0, v0, v1  }
0xdf: {  	[tilespmem:s2+$0xFFFFFFC0] =	vst v0  }
0xe0: {  	v0 =	vld [tilespmem:s26+$0xFFFFFFD0];
	_ =	sdelay $0x4  }
0xe1: {  	vm9 =	vgt.s32 v0, $0xC2FF  }
0xe2: {  	v0 =	vadd.s32 $0xFFFF3D00, v0;
	_ =	sdelay $0x3  }
0xe3: {  	v57 =	vld [tilespmem:s2+$0xFFFFFFD0]  }
0xe4: {  	v0 =	vld.idx.msk [tilespmem:v0+s19+$0x0], vm9;
	_ =	sdelay $0x4  }
0xe5: {  	v0 =	vsel vm9, v0, v57  }
0xe6: {  	[tilespmem:s2+$0xFFFFFFD0] =	vst v0  }
0xe7: {  	v0 =	vld [tilespmem:s26+$0xFFFFFFE0];
	_ =	sdelay $0x4  }
0xe8: {  	vm10 =	vgt.s32 v0, $0xC2FF  }
0xe9: {  	v0 =	vadd.s32 $0xFFFF3D00, v0;
	_ =	sdelay $0x3  }
0xea: {  	v58 =	vld [tilespmem:s2+$0xFFFFFFE0]  }
0xeb: {  	v0 =	vld.idx.msk [tilespmem:v0+s19+$0x0], vm10;
	_ =	sdelay $0x4  }
0xec: {  	v0 =	vsel vm10, v0, v58  }
0xed: {  	[tilespmem:s2+$0xFFFFFFE0] =	vst v0  }
0xee: {  	v0 =	vld [tilespmem:s26+$0xFFFFFFF0];
	_ =	sdelay $0x4  }
0xef: {  	vm11 =	vgt.s32 v0, $0xC2FF  }
0xf0: {  	v0 =	vadd.s32 $0xFFFF3D00, v0;
	_ =	sdelay $0x3  }
0xf1: {  	v59 =	vld [tilespmem:s2+$0xFFFFFFF0]  }
0xf2: {  	v0 =	vld.idx.msk [tilespmem:v0+s19+$0x0], vm11;
	_ =	sdelay $0x4  }
0xf3: {  	v0 =	vsel vm11, v0, v59  }
0xf4: {  	[tilespmem:s2+$0xFFFFFFF0] =	vst v0  }
0xf5: {  	v0 =	vld [tilespmem:s26+$0x0];
	_ =	sdelay $0x4  }
0xf6: {  	vm12 =	vgt.s32 v0, $0xC2FF  }
0xf7: {  	v0 =	vadd.s32 $0xFFFF3D00, v0;
	_ =	sdelay $0x3  }
0xf8: {  	v60 =	vld [tilespmem:s2+$0x0]  }
0xf9: {  	v0 =	vld.idx.msk [tilespmem:v0+s19+$0x0], vm12;
	_ =	sdelay $0x4  }
0xfa: {  	v0 =	vsel vm12, v0, v60  }
0xfb: {  	[tilespmem:s2+$0x0] =	vst v0  }
0xfc: {  	v0 =	vld [tilespmem:s26+$0x10];
	_ =	sdelay $0x4  }
0xfd: {  	vm13 =	vgt.s32 v0, $0xC2FF  }
0xfe: {  	v0 =	vadd.s32 $0xFFFF3D00, v0;
	_ =	sdelay $0x3  }
0xff: {  	v61 =	vld [tilespmem:s2+$0x10]  }
0x100: {  	v0 =	vld.idx.msk [tilespmem:v0+s19+$0x0], vm13;
	_ =	sdelay $0x4  }
0x101: {  	v0 =	vsel vm13, v0, v61  }
0x102: {  	[tilespmem:s2+$0x10] =	vst v0  }
0x103: {  	v0 =	vld [tilespmem:s26+$0x20];
	_ =	sdelay $0x4  }
0x104: {  	vm14 =	vgt.s32 v0, $0xC2FF  }
0x105: {  	v0 =	vadd.s32 $0xFFFF3D00, v0;
	_ =	sdelay $0x3  }
0x106: {  	v62 =	vld [tilespmem:s2+$0x20]  }
0x107: {  	v0 =	vld.idx.msk [tilespmem:v0+s19+$0x0], vm14;
	_ =	sdelay $0x4  }
0x108: {  	v0 =	vsel vm14, v0, v62  }
0x109: {  	[tilespmem:s2+$0x20] =	vst v0  }
0x10a: {  	v0 =	vld [tilespmem:s26+$0x30];
	_ =	sdelay $0x4  }
0x10b: {  	vm15 =	vgt.s32 v0, $0xC2FF  }
0x10c: {  	v0 =	vadd.s32 $0xFFFF3D00, v0;
	_ =	sdelay $0x3  }
0x10d: {  	v63 =	vld [tilespmem:s2+$0x30]  }
0x10e: {  	s25 =	sadd.s32 $0x8, s25;
	v0 =	vld.idx.msk [tilespmem:v0+s19+$0x0], vm15  }
0x10f: {  	p2 =	slt.u32 s25, $0xF8  }
.Ltmp7:
0x110: {  	_ = 	snop;
	(pc) =	sbr.rel @p2 .LBB2_11-.Ltmp7, $3  }
0x111: {  	_ =	sdelay $0x1  }
0x112: {  	v0 =	vsel vm15, v0, v63  }
0x113: {  	s26 =	sadd.s32 $0x80, s26;
	[tilespmem:s2+$0x30] =	vst v0;
	s2 =	sadd.s32 $0x80, s2  }
.Ltmp8:
0x114: {  	(pc) =	sbr.rel .LBB2_13-.Ltmp8, $4  }
0x115: {  	[hbm4b:s12+s14] =	stream.strided.scatter [tilespmem:s22], [sflag:$0x3], $0x1000, s15, s14, $0x38;
	[tilespmem:$0x1A700] =	vst v63  }
0x116: {  	_ =	swait.ge [sflag:s17], $0x1000  }
0x117: {  	[sflag:s17] =	ssyncset.done $0x0  }
0x118: {  	[sflag:s17] =	ssyncadd.s32 $0xFFFFF000  }
.LBB2_14:
0x119: {  	_ =	sfence.sel $0x180000  }
0x11a: {  	[bflag:$0x0] =	sbarrier.arrive $0xFFFF  }
0x11b: {  	_ =	strace $0x90000047  }
0x11c: {  	[bflag:$0x2] =	sbarrier.arrive $0xFFFF  }
0x11d: {  	p0 =	sne.s32 s0, $0x0;
	s0 =	rddreg [dreg:$0x3]  }
0x11e: {  	s0 =	sadd.s32 @!p0 $0x100000, s0  }
0x11f: {  	[sflag:s0] =	ssyncadd.tile.s32 @!p0 $0x1;
	_ =	shalt  }
.Lfunc_end2:
_tile_overlayer_lowered:
.L_overlay_start_2:
0x120: {  	(tag) =	ssettag $0x2  }
0x121: {  	s0 =	rddreg [dreg:$0x0];
	s2 =	stileid.u32  }
0x122: {  	s1 =	rddreg [dreg:$0x1];
	p0 =	sne.s32 s2, $0x0  }
0x123: {  	s3 =	rddreg [dreg:$0x2];
	[bflag:$0x3] =	sbarrier.arrive $0xFFFF;
	s2 =	simm.s32 @!p0 $0x1C03  }
0x124: {  	[timem:s3], [sflag:s2] =	dma.local @!p0 [hbm:s0], s1  }
0x125: {  	s0 =	simm.s32 @!p0 $0x3  }
0x126: {  	_ =	swait.ge @!p0 [sflag:s0], s1  }
0x127: {  	s1 =	ssub.s32 @!p0 $0x0, s1;
	[sflag:s0] =	ssyncset.done @!p0 $0x0  }
0x128: {  	[sflag:s0] =	ssyncadd.s32 @!p0 s1  }
0x129: {  	[bflag:$0x3] =	sbarrier.arrive $0xFFFF  }
0x12a: {  	_ =	shalt  }

</sc_bundles>
